<compile_context>
chip_gen: v7x
topology: tpu7x:2x2x1
jax: 0.10.2.dev20260603
libtpu: 0.0.44.dev20260713+nightly
codegen_flags: <defaults>
</compile_context>

<pallas_src>
import functools

import jax
import jax.numpy as jnp
from jax import lax
from jax.experimental import pallas as pl
from jax.experimental.pallas import tpu as pltpu
from jax.experimental.pallas import tpu_sc as plsc

B = 8192
D = 512
OUT_D = 3 * D
NW = 32
PW = B // NW
CHUNK = 16
NBUF = 2
LANES = 16


def _body(pos_hbm, d0_hbm, d1_hbm, d2_hbm, out_hbm, pos_v, obuf,
          d0_v, d1_v, d2_v, csem, ssem0, ssem1):
    cid = lax.axis_index("c")
    sid = lax.axis_index("s")
    wid = sid * 2 + cid
    base = wid * PW

    @pl.when(sid == 0)
    def _stage_tables():
        pltpu.sync_copy(d0_hbm, d0_v)
        pltpu.sync_copy(d1_hbm, d1_v)
        pltpu.sync_copy(d2_hbm, d2_v)

    pltpu.sync_copy(pos_hbm.at[pl.ds(base, PW)], pos_v)
    plsc.subcore_barrier()

    ssems = (ssem0, ssem1)

    def chunk_body(c, _):
        b = c % NBUF
        row0 = b * CHUNK
        dst = out_hbm.at[pl.ds(base + c * CHUNK, CHUNK)]

        for bb in range(NBUF):
            @pl.when(jnp.logical_and(b == bb, c >= NBUF))
            def _drain_store(bb=bb):
                pltpu.make_async_copy(
                    obuf.at[pl.ds(bb * CHUNK, CHUNK)], dst, ssems[bb]
                ).wait()

        pvec = pos_v[pl.ds(c * CHUNK, CHUNK)]
        tv = lax.shift_right_logical(pvec, 10)
        hv = jnp.bitwise_and(lax.shift_right_logical(pvec, 5), 31)
        wv = jnp.bitwise_and(pvec, 31)
        for i in range(CHUNK):
            pltpu.async_copy(
                d0_v.at[tv[i]], obuf.at[row0 + i, pl.ds(0, D)], csem)
        for i in range(CHUNK):
            pltpu.async_copy(
                d1_v.at[hv[i]], obuf.at[row0 + i, pl.ds(D, D)], csem)
        for i in range(CHUNK):
            pltpu.async_copy(
                d2_v.at[wv[i]], obuf.at[row0 + i, pl.ds(2 * D, D)], csem)

        pltpu.make_async_copy(
            dst, obuf.at[pl.ds(row0, CHUNK)], csem
        ).wait()

        for bb in range(NBUF):
            @pl.when(b == bb)
            def _store(bb=bb):
                pltpu.async_copy(
                    obuf.at[pl.ds(bb * CHUNK, CHUNK)], dst, ssems[bb])

        return 0

    lax.fori_loop(0, PW // CHUNK, chunk_body, 0)
    pltpu.make_async_copy(
        obuf.at[pl.ds(0, CHUNK)], out_hbm.at[pl.ds(base, CHUNK)], ssem0
    ).wait()
    pltpu.make_async_copy(
        obuf.at[pl.ds(CHUNK, CHUNK)], out_hbm.at[pl.ds(base, CHUNK)], ssem1
    ).wait()


@jax.jit
def _run(position_ids, d_0, d_1, d_2):
    mesh = plsc.VectorSubcoreMesh(core_axis_name="c", subcore_axis_name="s")
    kern = functools.partial(
        pl.kernel,
        out_type=jax.ShapeDtypeStruct((B, OUT_D), jnp.float32),
        mesh=mesh,
        scratch_types=[
            pltpu.VMEM((PW,), jnp.int32),
            pltpu.VMEM((NBUF * CHUNK, OUT_D), jnp.float32),
            pltpu.VMEM_SHARED((16, D), jnp.float32),
            pltpu.VMEM_SHARED((32, D), jnp.float32),
            pltpu.VMEM_SHARED((32, D), jnp.float32),
            pltpu.SemaphoreType.DMA,
            pltpu.SemaphoreType.DMA,
            pltpu.SemaphoreType.DMA,
        ],
    )(_body)
    return kern(position_ids.astype(jnp.int32), d_0, d_1, d_2)


def kernel(position_ids, d_0, d_1, d_2):
    out = _run(position_ids, d_0, d_1, d_2)
    return out[None]

# --- scband reference (transcript-rebuilt; emitter-appended) ---
"""Pipeline reference for scband-broadcasted-position-embedding-53532472377445 (READ-ONLY COPY).

The authoritative reference and input builder live on the scoring server;
editing this copy changes nothing except your own understanding.
"""

import jax, jax.numpy as jnp
import numpy as np

SHAPE = (16, 32, 32)
EMB_DIM = 1536
N_DIM = 3
D = EMB_DIM // N_DIM  # 512
N_POS = SHAPE[0] * SHAPE[1] * SHAPE[2]  # 16384


def setup_inputs(seed: int = 0) -> dict:
    key = jax.random.key(seed)
    k0, k1, k2, k3 = jax.random.split(key, 4)
    position_ids = jax.random.randint(k0, (8192,), 0, N_POS)
    d_0 = jax.random.normal(k1, (SHAPE[0], D), dtype=jnp.float32) * 0.01
    d_1 = jax.random.normal(k2, (SHAPE[1], D), dtype=jnp.float32) * 0.01
    d_2 = jax.random.normal(k3, (SHAPE[2], D), dtype=jnp.float32) * 0.01
    return {"position_ids": position_ids, "d_0": d_0, "d_1": d_1, "d_2": d_2}


def reference(position_ids, d_0, d_1, d_2):
    params = [d_0, d_1, d_2]
    embeddings = []
    for i in range(N_DIM):
        # emb.view(1,...,shape[i],...,1,-1) then expand to (*SHAPE, -1)
        view = [1, 1, 1]
        view[i] = SHAPE[i]
        e = params[i].reshape(view[0], view[1], view[2], D)
        e = jnp.broadcast_to(e, (*SHAPE, D))
        embeddings.append(e)
    full = jnp.concatenate(embeddings, axis=-1)  # (*SHAPE, EMB_DIM)
    # indices = cartesian_prod(arange(s) for s in SHAPE)[position_ids]
    # equivalent to unraveling position_ids in row-major order over SHAPE
    t_idx, h_idx, w_idx = jnp.unravel_index(position_ids, SHAPE)
    out = full[t_idx, h_idx, w_idx]  # (num_positions, EMB_DIM)
    return out[None]  # unsqueeze(0)

if __name__ == "__main__":
    import jax
    _d = setup_inputs()
    print(jax.jit(kernel)(*tuple(_d.values())))

</pallas_src>

<mosaic_0001>
#map = affine_map<(d0, d1) -> (0)>
#map1 = affine_map<(d0, d1) -> (0, 0)>
module attributes {stable_mosaic.version = 14 : i64} {
  func.func @_body(%arg0: i32, %arg1: i32, %arg2: memref<8192xi32, #tpu.memory_space<hbm>>, %arg3: memref<16x512xf32, #tpu.memory_space<hbm>>, %arg4: memref<32x512xf32, #tpu.memory_space<hbm>>, %arg5: memref<32x512xf32, #tpu.memory_space<hbm>>, %arg6: memref<8192x1536xf32, #tpu.memory_space<hbm>>, %arg7: memref<256xi32, #tpu.memory_space<vmem>>, %arg8: memref<32x1536xf32, #tpu.memory_space<vmem>>, %arg9: memref<16x512xf32, #tpu.memory_space<vmem_shared>>, %arg10: memref<32x512xf32, #tpu.memory_space<vmem_shared>>, %arg11: memref<32x512xf32, #tpu.memory_space<vmem_shared>>, %arg12: memref<!tpu.dma_semaphore, #tpu.memory_space<semaphore_mem>>, %arg13: memref<!tpu.dma_semaphore, #tpu.memory_space<semaphore_mem>>, %arg14: memref<!tpu.dma_semaphore, #tpu.memory_space<semaphore_mem>>) attributes {dimension_semantics = [#tpu.dimension_semantics<core_parallel>, #tpu.dimension_semantics<subcore_parallel>], iteration_bounds = array<i64: 2, 16>, scalar_prefetch = 0 : i64, scratch_operands = 8 : i64, tpu.core_type = #tpu.core_type<sc_vector_subcore>, window_params = [{transform_indices = #map}, {transform_indices = #map1}, {transform_indices = #map1}, {transform_indices = #map1}, {transform_indices = #map1}]} {
    %mul3A = arith.constant 2 : i32
    %mul3A_0 = arith.muli %arg1, %mul3A : i32
    %add3A = arith.addi %mul3A_0, %arg0 : i32
    %mul3A_1 = arith.constant 256 : i32
    %mul3A_2 = arith.muli %add3A, %mul3A_1 : i32
    %eq3A = arith.constant 0 : i32
    %eq3A_3 = arith.cmpi eq, %arg1, %eq3A : i32
    %convert_element_type3A = arith.extui %eq3A_3 : i1 to i32
    %cond3A = arith.constant 0 : i32
    %cond3A_4 = arith.cmpi ne, %convert_element_type3A, %cond3A : i32
    scf.if %cond3A_4 {
      "tpu.region"() ({
        %run_scoped3A = tpu.sem_alloc : memref<!tpu.dma_semaphore, #tpu.memory_space<semaphore_mem>>
        tpu.enqueue_dma source(%arg3 : memref<16x512xf32, #tpu.memory_space<hbm>>) target(%arg9 : memref<16x512xf32, #tpu.memory_space<vmem_shared>>) target_semaphore(%run_scoped3A : memref<!tpu.dma_semaphore, #tpu.memory_space<semaphore_mem>>)
        tpu.wait_dma2 semaphore(%run_scoped3A : memref<!tpu.dma_semaphore, #tpu.memory_space<semaphore_mem>>) src(%arg3 : memref<16x512xf32, #tpu.memory_space<hbm>>) dst(%arg9 : memref<16x512xf32, #tpu.memory_space<vmem_shared>>)
        tpu.yield
      }) : () -> ()
      "tpu.region"() ({
        %run_scoped3A = tpu.sem_alloc : memref<!tpu.dma_semaphore, #tpu.memory_space<semaphore_mem>>
        tpu.enqueue_dma source(%arg4 : memref<32x512xf32, #tpu.memory_space<hbm>>) target(%arg10 : memref<32x512xf32, #tpu.memory_space<vmem_shared>>) target_semaphore(%run_scoped3A : memref<!tpu.dma_semaphore, #tpu.memory_space<semaphore_mem>>)
        tpu.wait_dma2 semaphore(%run_scoped3A : memref<!tpu.dma_semaphore, #tpu.memory_space<semaphore_mem>>) src(%arg4 : memref<32x512xf32, #tpu.memory_space<hbm>>) dst(%arg10 : memref<32x512xf32, #tpu.memory_space<vmem_shared>>)
        tpu.yield
      }) : () -> ()
      "tpu.region"() ({
        %run_scoped3A = tpu.sem_alloc : memref<!tpu.dma_semaphore, #tpu.memory_space<semaphore_mem>>
        tpu.enqueue_dma source(%arg5 : memref<32x512xf32, #tpu.memory_space<hbm>>) target(%arg11 : memref<32x512xf32, #tpu.memory_space<vmem_shared>>) target_semaphore(%run_scoped3A : memref<!tpu.dma_semaphore, #tpu.memory_space<semaphore_mem>>)
        tpu.wait_dma2 semaphore(%run_scoped3A : memref<!tpu.dma_semaphore, #tpu.memory_space<semaphore_mem>>) src(%arg5 : memref<32x512xf32, #tpu.memory_space<hbm>>) dst(%arg11 : memref<32x512xf32, #tpu.memory_space<vmem_shared>>)
        tpu.yield
      }) : () -> ()
    } else {
    }
    "tpu.region"() ({
      %run_scoped3A = tpu.sem_alloc : memref<!tpu.dma_semaphore, #tpu.memory_space<semaphore_mem>>
      %dma_start3A = tpu.memref_slice %arg2[%mul3A_2] : memref<8192xi32, #tpu.memory_space<hbm>> -> memref<256xi32, #tpu.memory_space<hbm>>
      %dma_start3A_30 = tpu.memref_slice %arg2[%mul3A_2] : memref<8192xi32, #tpu.memory_space<hbm>> -> memref<256xi32, #tpu.memory_space<hbm>>
      tpu.enqueue_dma source(%dma_start3A_30 : memref<256xi32, #tpu.memory_space<hbm>>) target(%arg7 : memref<256xi32, #tpu.memory_space<vmem>>) target_semaphore(%run_scoped3A : memref<!tpu.dma_semaphore, #tpu.memory_space<semaphore_mem>>)
      %dma_wait3A_31 = tpu.memref_slice %arg2[%mul3A_2] : memref<8192xi32, #tpu.memory_space<hbm>> -> memref<256xi32, #tpu.memory_space<hbm>>
      %dma_wait3A_32 = tpu.memref_slice %arg2[%mul3A_2] : memref<8192xi32, #tpu.memory_space<hbm>> -> memref<256xi32, #tpu.memory_space<hbm>>
      tpu.wait_dma2 semaphore(%run_scoped3A : memref<!tpu.dma_semaphore, #tpu.memory_space<semaphore_mem>>) src(%dma_wait3A_32 : memref<256xi32, #tpu.memory_space<hbm>>) dst(%arg7 : memref<256xi32, #tpu.memory_space<vmem>>)
      tpu.yield
    }) : () -> ()
    %barrier3A = arith.constant 0 : index
    tpu.barrier barrier_id(%barrier3A)
    %scan3A = arith.constant 0 : i32
    %scan3A_5 = arith.constant 0 : i32
    %scan3A_6 = arith.constant 16 : i32
    %scan3A_7 = arith.addi %scan3A_5, %scan3A_6 : i32
    %scan3A_8 = arith.constant 1 : i32
    %scan3A_9 = scf.for %scan3A_30 = %scan3A_5 to %scan3A_7 step %scan3A_8 iter_args(%scan3A_31 = %scan3A) -> (i32)  : i32 {
      %jit3A = arith.constant 2 : i32
      %eq3A_32 = arith.constant 0 : i32
      %eq3A_33 = arith.cmpi eq, %jit3A, %eq3A_32 : i32
      %jit3A_34 = arith.constant 1 : i32
      %select_n3A = arith.select %eq3A_33, %jit3A_34, %jit3A : i32
      %rem3A = arith.remsi %scan3A_30, %select_n3A : i32
      %ne3A = arith.constant 0 : i32
      %ne3A_35 = arith.cmpi ne, %rem3A, %ne3A : i32
      %lt3A = arith.constant 0 : i32
      %lt3A_36 = arith.cmpi slt, %rem3A, %lt3A : i32
      %lt3A_37 = arith.constant 0 : i32
      %lt3A_38 = arith.cmpi slt, %select_n3A, %lt3A_37 : i32
      %ne3A_39 = arith.xori %lt3A_36, %lt3A_38 : i1
      %and3A = arith.andi %ne3A_39, %ne3A_35 : i1
      %add3A_40 = arith.addi %rem3A, %select_n3A : i32
      %select_n3A_41 = arith.select %and3A, %add3A_40, %rem3A : i32
      %mul3A_42 = arith.constant 16 : i32
      %mul3A_43 = arith.muli %select_n3A_41, %mul3A_42 : i32
      %mul3A_44 = arith.constant 16 : i32
      %mul3A_45 = arith.muli %scan3A_30, %mul3A_44 : i32
      %add3A_46 = arith.addi %mul3A_2, %mul3A_45 : i32
      %eq3A_47 = arith.constant 0 : i32
      %eq3A_48 = arith.cmpi eq, %select_n3A_41, %eq3A_47 : i32
      %ge3A = arith.constant 2 : i32
      %ge3A_49 = arith.cmpi sge, %scan3A_30, %ge3A : i32
      %and3A_50 = arith.andi %eq3A_48, %ge3A_49 : i1
      %convert_element_type3A_51 = arith.extui %and3A_50 : i1 to i32
      %cond3A_52 = arith.constant 0 : i32
      %cond3A_53 = arith.cmpi ne, %convert_element_type3A_51, %cond3A_52 : i32
      scf.if %cond3A_53 {
        %dma_wait3A_861 = arith.constant 0 : i32
        %dma_wait3A_862 = arith.constant 0 : i32
        %dma_wait3A_863 = tpu.memref_slice %arg8[%dma_wait3A_861, %dma_wait3A_862] : memref<32x1536xf32, #tpu.memory_space<vmem>> -> memref<16x1536xf32, #tpu.memory_space<vmem>>
        %dma_wait3A_864 = arith.constant 0 : i32
        %dma_wait3A_865 = tpu.memref_slice %arg6[%add3A_46, %dma_wait3A_864] : memref<8192x1536xf32, #tpu.memory_space<hbm>> -> memref<16x1536xf32, #tpu.memory_space<hbm>>
        %dma_wait3A_866 = arith.constant 0 : i32
        %dma_wait3A_867 = tpu.memref_slice %arg6[%add3A_46, %dma_wait3A_866] : memref<8192x1536xf32, #tpu.memory_space<hbm>> -> memref<16x1536xf32, #tpu.memory_space<hbm>>
        %dma_wait3A_868 = arith.constant 0 : i32
        %dma_wait3A_869 = arith.constant 0 : i32
        %dma_wait3A_870 = tpu.memref_slice %arg8[%dma_wait3A_868, %dma_wait3A_869] : memref<32x1536xf32, #tpu.memory_space<vmem>> -> memref<16x1536xf32, #tpu.memory_space<vmem>>
        tpu.wait_dma2 semaphore(%arg13 : memref<!tpu.dma_semaphore, #tpu.memory_space<semaphore_mem>>) src(%dma_wait3A_870 : memref<16x1536xf32, #tpu.memory_space<vmem>>) dst(%dma_wait3A_867 : memref<16x1536xf32, #tpu.memory_space<hbm>>)
      } else {
      }
      %eq3A_54 = arith.constant 1 : i32
      %eq3A_55 = arith.cmpi eq, %select_n3A_41, %eq3A_54 : i32
      %ge3A_56 = arith.constant 2 : i32
      %ge3A_57 = arith.cmpi sge, %scan3A_30, %ge3A_56 : i32
      %and3A_58 = arith.andi %eq3A_55, %ge3A_57 : i1
      %convert_element_type3A_59 = arith.extui %and3A_58 : i1 to i32
      %cond3A_60 = arith.constant 0 : i32
      %cond3A_61 = arith.cmpi ne, %convert_element_type3A_59, %cond3A_60 : i32
      scf.if %cond3A_61 {
        %dma_wait3A_861 = arith.constant 16 : i32
        %dma_wait3A_862 = arith.constant 0 : i32
        %dma_wait3A_863 = tpu.memref_slice %arg8[%dma_wait3A_861, %dma_wait3A_862] : memref<32x1536xf32, #tpu.memory_space<vmem>> -> memref<16x1536xf32, #tpu.memory_space<vmem>>
        %dma_wait3A_864 = arith.constant 0 : i32
        %dma_wait3A_865 = tpu.memref_slice %arg6[%add3A_46, %dma_wait3A_864] : memref<8192x1536xf32, #tpu.memory_space<hbm>> -> memref<16x1536xf32, #tpu.memory_space<hbm>>
        %dma_wait3A_866 = arith.constant 0 : i32
        %dma_wait3A_867 = tpu.memref_slice %arg6[%add3A_46, %dma_wait3A_866] : memref<8192x1536xf32, #tpu.memory_space<hbm>> -> memref<16x1536xf32, #tpu.memory_space<hbm>>
        %dma_wait3A_868 = arith.constant 16 : i32
        %dma_wait3A_869 = arith.constant 0 : i32
        %dma_wait3A_870 = tpu.memref_slice %arg8[%dma_wait3A_868, %dma_wait3A_869] : memref<32x1536xf32, #tpu.memory_space<vmem>> -> memref<16x1536xf32, #tpu.memory_space<vmem>>
        tpu.wait_dma2 semaphore(%arg14 : memref<!tpu.dma_semaphore, #tpu.memory_space<semaphore_mem>>) src(%dma_wait3A_870 : memref<16x1536xf32, #tpu.memory_space<vmem>>) dst(%dma_wait3A_867 : memref<16x1536xf32, #tpu.memory_space<hbm>>)
      } else {
      }
      %mul3A_62 = arith.constant 16 : i32
      %mul3A_63 = arith.muli %scan3A_30, %mul3A_62 : i32
      %get3A = arith.index_cast %mul3A_63 : i32 to index
      %get3A_64 = tpu.vector_load %arg7[%get3A] {strides = array<i32>} : memref<256xi32, #tpu.memory_space<vmem>>, vector<16xi32>,
      %get3A_65 = vector.shape_cast %get3A_64 : vector<16xi32> to vector<16xi32>
      %shift_right_logical3A = arith.constant 10 : i32
      %shift_right_logical3A_66 = vector.broadcast %shift_right_logical3A : i32 to vector<16xi32>
      %shift_right_logical3A_67 = arith.shrui %get3A_65, %shift_right_logical3A_66 : vector<16xi32>
      %shift_right_logical3A_68 = arith.constant 5 : i32
      %shift_right_logical3A_69 = vector.broadcast %shift_right_logical3A_68 : i32 to vector<16xi32>
      %shift_right_logical3A_70 = arith.shrui %get3A_65, %shift_right_logical3A_69 : vector<16xi32>
      %and3A_71 = arith.constant 31 : i32
      %and3A_72 = vector.broadcast %and3A_71 : i32 to vector<16xi32>
      %and3A_73 = arith.andi %shift_right_logical3A_70, %and3A_72 : vector<16xi32>
      %and3A_74 = arith.constant 31 : i32
      %and3A_75 = vector.broadcast %and3A_74 : i32 to vector<16xi32>
      %and3A_76 = arith.andi %get3A_65, %and3A_75 : vector<16xi32>
      %slice3A = vector.extract_strided_slice %shift_right_logical3A_67 {offsets = [0], sizes = [1], strides = [1]} : vector<16xi32> to vector<1xi32>
      %squeeze3A = vector.extract %slice3A[0] : i32 from vector<1xi32>
      %add3A_77 = arith.constant 0 : i32
      %add3A_78 = arith.addi %mul3A_43, %add3A_77 : i32
      %dma_start3A = arith.constant 0 : i32
      %dma_start3A_79 = tpu.memref_slice %arg8[%add3A_78, %dma_start3A] : memref<32x1536xf32, #tpu.memory_space<vmem>> -> memref<1x512xf32, #tpu.memory_space<vmem>>
      %dma_start3A_80 = tpu.memref_squeeze %dma_start3A_79 : memref<1x512xf32, #tpu.memory_space<vmem>> -> memref<512xf32, #tpu.memory_space<vmem>>
      %dma_start3A_81 = arith.constant 0 : i32
      %dma_start3A_82 = tpu.memref_slice %arg9[%squeeze3A, %dma_start3A_81] : memref<16x512xf32, #tpu.memory_space<vmem_shared>> -> memref<1x512xf32, #tpu.memory_space<vmem_shared>>
      %dma_start3A_83 = tpu.memref_squeeze %dma_start3A_82 : memref<1x512xf32, #tpu.memory_space<vmem_shared>> -> memref<512xf32, #tpu.memory_space<vmem_shared>>
      %dma_start3A_84 = arith.constant 0 : i32
      %dma_start3A_85 = tpu.memref_slice %arg8[%add3A_78, %dma_start3A_84] : memref<32x1536xf32, #tpu.memory_space<vmem>> -> memref<1x512xf32, #tpu.memory_space<vmem>>
      %dma_start3A_86 = tpu.memref_squeeze %dma_start3A_85 : memref<1x512xf32, #tpu.memory_space<vmem>> -> memref<512xf32, #tpu.memory_space<vmem>>
      %dma_start3A_87 = arith.constant 0 : i32
      %dma_start3A_88 = tpu.memref_slice %arg9[%squeeze3A, %dma_start3A_87] : memref<16x512xf32, #tpu.memory_space<vmem_shared>> -> memref<1x512xf32, #tpu.memory_space<vmem_shared>>
      %dma_start3A_89 = tpu.memref_squeeze %dma_start3A_88 : memref<1x512xf32, #tpu.memory_space<vmem_shared>> -> memref<512xf32, #tpu.memory_space<vmem_shared>>
      tpu.enqueue_dma source(%dma_start3A_89 : memref<512xf32, #tpu.memory_space<vmem_shared>>) target(%dma_start3A_86 : memref<512xf32, #tpu.memory_space<vmem>>) target_semaphore(%arg12 : memref<!tpu.dma_semaphore, #tpu.memory_space<semaphore_mem>>)
      %slice3A_90 = vector.extract_strided_slice %shift_right_logical3A_67 {offsets = [1], sizes = [1], strides = [1]} : vector<16xi32> to vector<1xi32>
      %squeeze3A_91 = vector.extract %slice3A_90[0] : i32 from vector<1xi32>
      %add3A_92 = arith.constant 1 : i32
      %add3A_93 = arith.addi %mul3A_43, %add3A_92 : i32
      %dma_start3A_94 = arith.constant 0 : i32
      %dma_start3A_95 = tpu.memref_slice %arg8[%add3A_93, %dma_start3A_94] : memref<32x1536xf32, #tpu.memory_space<vmem>> -> memref<1x512xf32, #tpu.memory_space<vmem>>
      %dma_start3A_96 = tpu.memref_squeeze %dma_start3A_95 : memref<1x512xf32, #tpu.memory_space<vmem>> -> memref<512xf32, #tpu.memory_space<vmem>>
      %dma_start3A_97 = arith.constant 0 : i32
      %dma_start3A_98 = tpu.memref_slice %arg9[%squeeze3A_91, %dma_start3A_97] : memref<16x512xf32, #tpu.memory_space<vmem_shared>> -> memref<1x512xf32, #tpu.memory_space<vmem_shared>>
      %dma_start3A_99 = tpu.memref_squeeze %dma_start3A_98 : memref<1x512xf32, #tpu.memory_space<vmem_shared>> -> memref<512xf32, #tpu.memory_space<vmem_shared>>
      %dma_start3A_100 = arith.constant 0 : i32
      %dma_start3A_101 = tpu.memref_slice %arg8[%add3A_93, %dma_start3A_100] : memref<32x1536xf32, #tpu.memory_space<vmem>> -> memref<1x512xf32, #tpu.memory_space<vmem>>
      %dma_start3A_102 = tpu.memref_squeeze %dma_start3A_101 : memref<1x512xf32, #tpu.memory_space<vmem>> -> memref<512xf32, #tpu.memory_space<vmem>>
      %dma_start3A_103 = arith.constant 0 : i32
      %dma_start3A_104 = tpu.memref_slice %arg9[%squeeze3A_91, %dma_start3A_103] : memref<16x512xf32, #tpu.memory_space<vmem_shared>> -> memref<1x512xf32, #tpu.memory_space<vmem_shared>>
      %dma_start3A_105 = tpu.memref_squeeze %dma_start3A_104 : memref<1x512xf32, #tpu.memory_space<vmem_shared>> -> memref<512xf32, #tpu.memory_space<vmem_shared>>
      tpu.enqueue_dma source(%dma_start3A_105 : memref<512xf32, #tpu.memory_space<vmem_shared>>) target(%dma_start3A_102 : memref<512xf32, #tpu.memory_space<vmem>>) target_semaphore(%arg12 : memref<!tpu.dma_semaphore, #tpu.memory_space<semaphore_mem>>)
      %slice3A_106 = vector.extract_strided_slice %shift_right_logical3A_67 {offsets = [2], sizes = [1], strides = [1]} : vector<16xi32> to vector<1xi32>
      %squeeze3A_107 = vector.extract %slice3A_106[0] : i32 from vector<1xi32>
      %add3A_108 = arith.constant 2 : i32
      %add3A_109 = arith.addi %mul3A_43, %add3A_108 : i32
      %dma_start3A_110 = arith.constant 0 : i32
      %dma_start3A_111 = tpu.memref_slice %arg8[%add3A_109, %dma_start3A_110] : memref<32x1536xf32, #tpu.memory_space<vmem>> -> memref<1x512xf32, #tpu.memory_space<vmem>>
      %dma_start3A_112 = tpu.memref_squeeze %dma_start3A_111 : memref<1x512xf32, #tpu.memory_space<vmem>> -> memref<512xf32, #tpu.memory_space<vmem>>
      %dma_start3A_113 = arith.constant 0 : i32
      %dma_start3A_114 = tpu.memref_slice %arg9[%squeeze3A_107, %dma_start3A_113] : memref<16x512xf32, #tpu.memory_space<vmem_shared>> -> memref<1x512xf32, #tpu.memory_space<vmem_shared>>
      %dma_start3A_115 = tpu.memref_squeeze %dma_start3A_114 : memref<1x512xf32, #tpu.memory_space<vmem_shared>> -> memref<512xf32, #tpu.memory_space<vmem_shared>>
      %dma_start3A_116 = arith.constant 0 : i32
      %dma_start3A_117 = tpu.memref_slice %arg8[%add3A_109, %dma_start3A_116] : memref<32x1536xf32, #tpu.memory_space<vmem>> -> memref<1x512xf32, #tpu.memory_space<vmem>>
      %dma_start3A_118 = tpu.memref_squeeze %dma_start3A_117 : memref<1x512xf32, #tpu.memory_space<vmem>> -> memref<512xf32, #tpu.memory_space<vmem>>
      %dma_start3A_119 = arith.constant 0 : i32
      %dma_start3A_120 = tpu.memref_slice %arg9[%squeeze3A_107, %dma_start3A_119] : memref<16x512xf32, #tpu.memory_space<vmem_shared>> -> memref<1x512xf32, #tpu.memory_space<vmem_shared>>
      %dma_start3A_121 = tpu.memref_squeeze %dma_start3A_120 : memref<1x512xf32, #tpu.memory_space<vmem_shared>> -> memref<512xf32, #tpu.memory_space<vmem_shared>>
      tpu.enqueue_dma source(%dma_start3A_121 : memref<512xf32, #tpu.memory_space<vmem_shared>>) target(%dma_start3A_118 : memref<512xf32, #tpu.memory_space<vmem>>) target_semaphore(%arg12 : memref<!tpu.dma_semaphore, #tpu.memory_space<semaphore_mem>>)
      %slice3A_122 = vector.extract_strided_slice %shift_right_logical3A_67 {offsets = [3], sizes = [1], strides = [1]} : vector<16xi32> to vector<1xi32>
      %squeeze3A_123 = vector.extract %slice3A_122[0] : i32 from vector<1xi32>
      %add3A_124 = arith.constant 3 : i32
      %add3A_125 = arith.addi %mul3A_43, %add3A_124 : i32
      %dma_start3A_126 = arith.constant 0 : i32
      %dma_start3A_127 = tpu.memref_slice %arg8[%add3A_125, %dma_start3A_126] : memref<32x1536xf32, #tpu.memory_space<vmem>> -> memref<1x512xf32, #tpu.memory_space<vmem>>
      %dma_start3A_128 = tpu.memref_squeeze %dma_start3A_127 : memref<1x512xf32, #tpu.memory_space<vmem>> -> memref<512xf32, #tpu.memory_space<vmem>>
      %dma_start3A_129 = arith.constant 0 : i32
      %dma_start3A_130 = tpu.memref_slice %arg9[%squeeze3A_123, %dma_start3A_129] : memref<16x512xf32, #tpu.memory_space<vmem_shared>> -> memref<1x512xf32, #tpu.memory_space<vmem_shared>>
      %dma_start3A_131 = tpu.memref_squeeze %dma_start3A_130 : memref<1x512xf32, #tpu.memory_space<vmem_shared>> -> memref<512xf32, #tpu.memory_space<vmem_shared>>
      %dma_start3A_132 = arith.constant 0 : i32
      %dma_start3A_133 = tpu.memref_slice %arg8[%add3A_125, %dma_start3A_132] : memref<32x1536xf32, #tpu.memory_space<vmem>> -> memref<1x512xf32, #tpu.memory_space<vmem>>
      %dma_start3A_134 = tpu.memref_squeeze %dma_start3A_133 : memref<1x512xf32, #tpu.memory_space<vmem>> -> memref<512xf32, #tpu.memory_space<vmem>>
      %dma_start3A_135 = arith.constant 0 : i32
      %dma_start3A_136 = tpu.memref_slice %arg9[%squeeze3A_123, %dma_start3A_135] : memref<16x512xf32, #tpu.memory_space<vmem_shared>> -> memref<1x512xf32, #tpu.memory_space<vmem_shared>>
      %dma_start3A_137 = tpu.memref_squeeze %dma_start3A_136 : memref<1x512xf32, #tpu.memory_space<vmem_shared>> -> memref<512xf32, #tpu.memory_space<vmem_shared>>
      tpu.enqueue_dma source(%dma_start3A_137 : memref<512xf32, #tpu.memory_space<vmem_shared>>) target(%dma_start3A_134 : memref<512xf32, #tpu.memory_space<vmem>>) target_semaphore(%arg12 : memref<!tpu.dma_semaphore, #tpu.memory_space<semaphore_mem>>)
      %slice3A_138 = vector.extract_strided_slice %shift_right_logical3A_67 {offsets = [4], sizes = [1], strides = [1]} : vector<16xi32> to vector<1xi32>
      %squeeze3A_139 = vector.extract %slice3A_138[0] : i32 from vector<1xi32>
      %add3A_140 = arith.constant 4 : i32
      %add3A_141 = arith.addi %mul3A_43, %add3A_140 : i32
      %dma_start3A_142 = arith.constant 0 : i32
      %dma_start3A_143 = tpu.memref_slice %arg8[%add3A_141, %dma_start3A_142] : memref<32x1536xf32, #tpu.memory_space<vmem>> -> memref<1x512xf32, #tpu.memory_space<vmem>>
      %dma_start3A_144 = tpu.memref_squeeze %dma_start3A_143 : memref<1x512xf32, #tpu.memory_space<vmem>> -> memref<512xf32, #tpu.memory_space<vmem>>
      %dma_start3A_145 = arith.constant 0 : i32
      %dma_start3A_146 = tpu.memref_slice %arg9[%squeeze3A_139, %dma_start3A_145] : memref<16x512xf32, #tpu.memory_space<vmem_shared>> -> memref<1x512xf32, #tpu.memory_space<vmem_shared>>
      %dma_start3A_147 = tpu.memref_squeeze %dma_start3A_146 : memref<1x512xf32, #tpu.memory_space<vmem_shared>> -> memref<512xf32, #tpu.memory_space<vmem_shared>>
      %dma_start3A_148 = arith.constant 0 : i32
      %dma_start3A_149 = tpu.memref_slice %arg8[%add3A_141, %dma_start3A_148] : memref<32x1536xf32, #tpu.memory_space<vmem>> -> memref<1x512xf32, #tpu.memory_space<vmem>>
      %dma_start3A_150 = tpu.memref_squeeze %dma_start3A_149 : memref<1x512xf32, #tpu.memory_space<vmem>> -> memref<512xf32, #tpu.memory_space<vmem>>
      %dma_start3A_151 = arith.constant 0 : i32
      %dma_start3A_152 = tpu.memref_slice %arg9[%squeeze3A_139, %dma_start3A_151] : memref<16x512xf32, #tpu.memory_space<vmem_shared>> -> memref<1x512xf32, #tpu.memory_space<vmem_shared>>
      %dma_start3A_153 = tpu.memref_squeeze %dma_start3A_152 : memref<1x512xf32, #tpu.memory_space<vmem_shared>> -> memref<512xf32, #tpu.memory_space<vmem_shared>>
      tpu.enqueue_dma source(%dma_start3A_153 : memref<512xf32, #tpu.memory_space<vmem_shared>>) target(%dma_start3A_150 : memref<512xf32, #tpu.memory_space<vmem>>) target_semaphore(%arg12 : memref<!tpu.dma_semaphore, #tpu.memory_space<semaphore_mem>>)
      %slice3A_154 = vector.extract_strided_slice %shift_right_logical3A_67 {offsets = [5], sizes = [1], strides = [1]} : vector<16xi32> to vector<1xi32>
      %squeeze3A_155 = vector.extract %slice3A_154[0] : i32 from vector<1xi32>
      %add3A_156 = arith.constant 5 : i32
      %add3A_157 = arith.addi %mul3A_43, %add3A_156 : i32
      %dma_start3A_158 = arith.constant 0 : i32
      %dma_start3A_159 = tpu.memref_slice %arg8[%add3A_157, %dma_start3A_158] : memref<32x1536xf32, #tpu.memory_space<vmem>> -> memref<1x512xf32, #tpu.memory_space<vmem>>
      %dma_start3A_160 = tpu.memref_squeeze %dma_start3A_159 : memref<1x512xf32, #tpu.memory_space<vmem>> -> memref<512xf32, #tpu.memory_space<vmem>>
      %dma_start3A_161 = arith.constant 0 : i32
      %dma_start3A_162 = tpu.memref_slice %arg9[%squeeze3A_155, %dma_start3A_161] : memref<16x512xf32, #tpu.memory_space<vmem_shared>> -> memref<1x512xf32, #tpu.memory_space<vmem_shared>>
      %dma_start3A_163 = tpu.memref_squeeze %dma_start3A_162 : memref<1x512xf32, #tpu.memory_space<vmem_shared>> -> memref<512xf32, #tpu.memory_space<vmem_shared>>
      %dma_start3A_164 = arith.constant 0 : i32
      %dma_start3A_165 = tpu.memref_slice %arg8[%add3A_157, %dma_start3A_164] : memref<32x1536xf32, #tpu.memory_space<vmem>> -> memref<1x512xf32, #tpu.memory_space<vmem>>
      %dma_start3A_166 = tpu.memref_squeeze %dma_start3A_165 : memref<1x512xf32, #tpu.memory_space<vmem>> -> memref<512xf32, #tpu.memory_space<vmem>>
      %dma_start3A_167 = arith.constant 0 : i32
      %dma_start3A_168 = tpu.memref_slice %arg9[%squeeze3A_155, %dma_start3A_167] : memref<16x512xf32, #tpu.memory_space<vmem_shared>> -> memref<1x512xf32, #tpu.memory_space<vmem_shared>>
      %dma_start3A_169 = tpu.memref_squeeze %dma_start3A_168 : memref<1x512xf32, #tpu.memory_space<vmem_shared>> -> memref<512xf32, #tpu.memory_space<vmem_shared>>
      tpu.enqueue_dma source(%dma_start3A_169 : memref<512xf32, #tpu.memory_space<vmem_shared>>) target(%dma_start3A_166 : memref<512xf32, #tpu.memory_space<vmem>>) target_semaphore(%arg12 : memref<!tpu.dma_semaphore, #tpu.memory_space<semaphore_mem>>)
      %slice3A_170 = vector.extract_strided_slice %shift_right_logical3A_67 {offsets = [6], sizes = [1], strides = [1]} : vector<16xi32> to vector<1xi32>
      %squeeze3A_171 = vector.extract %slice3A_170[0] : i32 from vector<1xi32>
      %add3A_172 = arith.constant 6 : i32
      %add3A_173 = arith.addi %mul3A_43, %add3A_172 : i32
      %dma_start3A_174 = arith.constant 0 : i32
      %dma_start3A_175 = tpu.memref_slice %arg8[%add3A_173, %dma_start3A_174] : memref<32x1536xf32, #tpu.memory_space<vmem>> -> memref<1x512xf32, #tpu.memory_space<vmem>>
      %dma_start3A_176 = tpu.memref_squeeze %dma_start3A_175 : memref<1x512xf32, #tpu.memory_space<vmem>> -> memref<512xf32, #tpu.memory_space<vmem>>
      %dma_start3A_177 = arith.constant 0 : i32
      %dma_start3A_178 = tpu.memref_slice %arg9[%squeeze3A_171, %dma_start3A_177] : memref<16x512xf32, #tpu.memory_space<vmem_shared>> -> memref<1x512xf32, #tpu.memory_space<vmem_shared>>
      %dma_start3A_179 = tpu.memref_squeeze %dma_start3A_178 : memref<1x512xf32, #tpu.memory_space<vmem_shared>> -> memref<512xf32, #tpu.memory_space<vmem_shared>>
      %dma_start3A_180 = arith.constant 0 : i32
      %dma_start3A_181 = tpu.memref_slice %arg8[%add3A_173, %dma_start3A_180] : memref<32x1536xf32, #tpu.memory_space<vmem>> -> memref<1x512xf32, #tpu.memory_space<vmem>>
      %dma_start3A_182 = tpu.memref_squeeze %dma_start3A_181 : memref<1x512xf32, #tpu.memory_space<vmem>> -> memref<512xf32, #tpu.memory_space<vmem>>
      %dma_start3A_183 = arith.constant 0 : i32
      %dma_start3A_184 = tpu.memref_slice %arg9[%squeeze3A_171, %dma_start3A_183] : memref<16x512xf32, #tpu.memory_space<vmem_shared>> -> memref<1x512xf32, #tpu.memory_space<vmem_shared>>
      %dma_start3A_185 = tpu.memref_squeeze %dma_start3A_184 : memref<1x512xf32, #tpu.memory_space<vmem_shared>> -> memref<512xf32, #tpu.memory_space<vmem_shared>>
      tpu.enqueue_dma source(%dma_start3A_185 : memref<512xf32, #tpu.memory_space<vmem_shared>>) target(%dma_start3A_182 : memref<512xf32, #tpu.memory_space<vmem>>) target_semaphore(%arg12 : memref<!tpu.dma_semaphore, #tpu.memory_space<semaphore_mem>>)
      %slice3A_186 = vector.extract_strided_slice %shift_right_logical3A_67 {offsets = [7], sizes = [1], strides = [1]} : vector<16xi32> to vector<1xi32>
      %squeeze3A_187 = vector.extract %slice3A_186[0] : i32 from vector<1xi32>
      %add3A_188 = arith.constant 7 : i32
      %add3A_189 = arith.addi %mul3A_43, %add3A_188 : i32
      %dma_start3A_190 = arith.constant 0 : i32
      %dma_start3A_191 = tpu.memref_slice %arg8[%add3A_189, %dma_start3A_190] : memref<32x1536xf32, #tpu.memory_space<vmem>> -> memref<1x512xf32, #tpu.memory_space<vmem>>
      %dma_start3A_192 = tpu.memref_squeeze %dma_start3A_191 : memref<1x512xf32, #tpu.memory_space<vmem>> -> memref<512xf32, #tpu.memory_space<vmem>>
      %dma_start3A_193 = arith.constant 0 : i32
      %dma_start3A_194 = tpu.memref_slice %arg9[%squeeze3A_187, %dma_start3A_193] : memref<16x512xf32, #tpu.memory_space<vmem_shared>> -> memref<1x512xf32, #tpu.memory_space<vmem_shared>>
      %dma_start3A_195 = tpu.memref_squeeze %dma_start3A_194 : memref<1x512xf32, #tpu.memory_space<vmem_shared>> -> memref<512xf32, #tpu.memory_space<vmem_shared>>
      %dma_start3A_196 = arith.constant 0 : i32
      %dma_start3A_197 = tpu.memref_slice %arg8[%add3A_189, %dma_start3A_196] : memref<32x1536xf32, #tpu.memory_space<vmem>> -> memref<1x512xf32, #tpu.memory_space<vmem>>
      %dma_start3A_198 = tpu.memref_squeeze %dma_start3A_197 : memref<1x512xf32, #tpu.memory_space<vmem>> -> memref<512xf32, #tpu.memory_space<vmem>>
      %dma_start3A_199 = arith.constant 0 : i32
      %dma_start3A_200 = tpu.memref_slice %arg9[%squeeze3A_187, %dma_start3A_199] : memref<16x512xf32, #tpu.memory_space<vmem_shared>> -> memref<1x512xf32, #tpu.memory_space<vmem_shared>>
      %dma_start3A_201 = tpu.memref_squeeze %dma_start3A_200 : memref<1x512xf32, #tpu.memory_space<vmem_shared>> -> memref<512xf32, #tpu.memory_space<vmem_shared>>
      tpu.enqueue_dma source(%dma_start3A_201 : memref<512xf32, #tpu.memory_space<vmem_shared>>) target(%dma_start3A_198 : memref<512xf32, #tpu.memory_space<vmem>>) target_semaphore(%arg12 : memref<!tpu.dma_semaphore, #tpu.memory_space<semaphore_mem>>)
      %slice3A_202 = vector.extract_strided_slice %shift_right_logical3A_67 {offsets = [8], sizes = [1], strides = [1]} : vector<16xi32> to vector<1xi32>
      %squeeze3A_203 = vector.extract %slice3A_202[0] : i32 from vector<1xi32>
      %add3A_204 = arith.constant 8 : i32
      %add3A_205 = arith.addi %mul3A_43, %add3A_204 : i32
      %dma_start3A_206 = arith.constant 0 : i32
      %dma_start3A_207 = tpu.memref_slice %arg8[%add3A_205, %dma_start3A_206] : memref<32x1536xf32, #tpu.memory_space<vmem>> -> memref<1x512xf32, #tpu.memory_space<vmem>>
      %dma_start3A_208 = tpu.memref_squeeze %dma_start3A_207 : memref<1x512xf32, #tpu.memory_space<vmem>> -> memref<512xf32, #tpu.memory_space<vmem>>
      %dma_start3A_209 = arith.constant 0 : i32
      %dma_start3A_210 = tpu.memref_slice %arg9[%squeeze3A_203, %dma_start3A_209] : memref<16x512xf32, #tpu.memory_space<vmem_shared>> -> memref<1x512xf32, #tpu.memory_space<vmem_shared>>
      %dma_start3A_211 = tpu.memref_squeeze %dma_start3A_210 : memref<1x512xf32, #tpu.memory_space<vmem_shared>> -> memref<512xf32, #tpu.memory_space<vmem_shared>>
      %dma_start3A_212 = arith.constant 0 : i32
      %dma_start3A_213 = tpu.memref_slice %arg8[%add3A_205, %dma_start3A_212] : memref<32x1536xf32, #tpu.memory_space<vmem>> -> memref<1x512xf32, #tpu.memory_space<vmem>>
      %dma_start3A_214 = tpu.memref_squeeze %dma_start3A_213 : memref<1x512xf32, #tpu.memory_space<vmem>> -> memref<512xf32, #tpu.memory_space<vmem>>
      %dma_start3A_215 = arith.constant 0 : i32
      %dma_start3A_216 = tpu.memref_slice %arg9[%squeeze3A_203, %dma_start3A_215] : memref<16x512xf32, #tpu.memory_space<vmem_shared>> -> memref<1x512xf32, #tpu.memory_space<vmem_shared>>
      %dma_start3A_217 = tpu.memref_squeeze %dma_start3A_216 : memref<1x512xf32, #tpu.memory_space<vmem_shared>> -> memref<512xf32, #tpu.memory_space<vmem_shared>>
      tpu.enqueue_dma source(%dma_start3A_217 : memref<512xf32, #tpu.memory_space<vmem_shared>>) target(%dma_start3A_214 : memref<512xf32, #tpu.memory_space<vmem>>) target_semaphore(%arg12 : memref<!tpu.dma_semaphore, #tpu.memory_space<semaphore_mem>>)
      %slice3A_218 = vector.extract_strided_slice %shift_right_logical3A_67 {offsets = [9], sizes = [1], strides = [1]} : vector<16xi32> to vector<1xi32>
      %squeeze3A_219 = vector.extract %slice3A_218[0] : i32 from vector<1xi32>
      %add3A_220 = arith.constant 9 : i32
      %add3A_221 = arith.addi %mul3A_43, %add3A_220 : i32
      %dma_start3A_222 = arith.constant 0 : i32
      %dma_start3A_223 = tpu.memref_slice %arg8[%add3A_221, %dma_start3A_222] : memref<32x1536xf32, #tpu.memory_space<vmem>> -> memref<1x512xf32, #tpu.memory_space<vmem>>
      %dma_start3A_224 = tpu.memref_squeeze %dma_start3A_223 : memref<1x512xf32, #tpu.memory_space<vmem>> -> memref<512xf32, #tpu.memory_space<vmem>>
      %dma_start3A_225 = arith.constant 0 : i32
      %dma_start3A_226 = tpu.memref_slice %arg9[%squeeze3A_219, %dma_start3A_225] : memref<16x512xf32, #tpu.memory_space<vmem_shared>> -> memref<1x512xf32, #tpu.memory_space<vmem_shared>>
      %dma_start3A_227 = tpu.memref_squeeze %dma_start3A_226 : memref<1x512xf32, #tpu.memory_space<vmem_shared>> -> memref<512xf32, #tpu.memory_space<vmem_shared>>
      %dma_start3A_228 = arith.constant 0 : i32
      %dma_start3A_229 = tpu.memref_slice %arg8[%add3A_221, %dma_start3A_228] : memref<32x1536xf32, #tpu.memory_space<vmem>> -> memref<1x512xf32, #tpu.memory_space<vmem>>
      %dma_start3A_230 = tpu.memref_squeeze %dma_start3A_229 : memref<1x512xf32, #tpu.memory_space<vmem>> -> memref<512xf32, #tpu.memory_space<vmem>>
      %dma_start3A_231 = arith.constant 0 : i32
      %dma_start3A_232 = tpu.memref_slice %arg9[%squeeze3A_219, %dma_start3A_231] : memref<16x512xf32, #tpu.memory_space<vmem_shared>> -> memref<1x512xf32, #tpu.memory_space<vmem_shared>>
      %dma_start3A_233 = tpu.memref_squeeze %dma_start3A_232 : memref<1x512xf32, #tpu.memory_space<vmem_shared>> -> memref<512xf32, #tpu.memory_space<vmem_shared>>
      tpu.enqueue_dma source(%dma_start3A_233 : memref<512xf32, #tpu.memory_space<vmem_shared>>) target(%dma_start3A_230 : memref<512xf32, #tpu.memory_space<vmem>>) target_semaphore(%arg12 : memref<!tpu.dma_semaphore, #tpu.memory_space<semaphore_mem>>)
      %slice3A_234 = vector.extract_strided_slice %shift_right_logical3A_67 {offsets = [10], sizes = [1], strides = [1]} : vector<16xi32> to vector<1xi32>
      %squeeze3A_235 = vector.extract %slice3A_234[0] : i32 from vector<1xi32>
      %add3A_236 = arith.constant 10 : i32
      %add3A_237 = arith.addi %mul3A_43, %add3A_236 : i32
      %dma_start3A_238 = arith.constant 0 : i32
      %dma_start3A_239 = tpu.memref_slice %arg8[%add3A_237, %dma_start3A_238] : memref<32x1536xf32, #tpu.memory_space<vmem>> -> memref<1x512xf32, #tpu.memory_space<vmem>>
      %dma_start3A_240 = tpu.memref_squeeze %dma_start3A_239 : memref<1x512xf32, #tpu.memory_space<vmem>> -> memref<512xf32, #tpu.memory_space<vmem>>
      %dma_start3A_241 = arith.constant 0 : i32
      %dma_start3A_242 = tpu.memref_slice %arg9[%squeeze3A_235, %dma_start3A_241] : memref<16x512xf32, #tpu.memory_space<vmem_shared>> -> memref<1x512xf32, #tpu.memory_space<vmem_shared>>
      %dma_start3A_243 = tpu.memref_squeeze %dma_start3A_242 : memref<1x512xf32, #tpu.memory_space<vmem_shared>> -> memref<512xf32, #tpu.memory_space<vmem_shared>>
      %dma_start3A_244 = arith.constant 0 : i32
      %dma_start3A_245 = tpu.memref_slice %arg8[%add3A_237, %dma_start3A_244] : memref<32x1536xf32, #tpu.memory_space<vmem>> -> memref<1x512xf32, #tpu.memory_space<vmem>>
      %dma_start3A_246 = tpu.memref_squeeze %dma_start3A_245 : memref<1x512xf32, #tpu.memory_space<vmem>> -> memref<512xf32, #tpu.memory_space<vmem>>
      %dma_start3A_247 = arith.constant 0 : i32
      %dma_start3A_248 = tpu.memref_slice %arg9[%squeeze3A_235, %dma_start3A_247] : memref<16x512xf32, #tpu.memory_space<vmem_shared>> -> memref<1x512xf32, #tpu.memory_space<vmem_shared>>
      %dma_start3A_249 = tpu.memref_squeeze %dma_start3A_248 : memref<1x512xf32, #tpu.memory_space<vmem_shared>> -> memref<512xf32, #tpu.memory_space<vmem_shared>>
      tpu.enqueue_dma source(%dma_start3A_249 : memref<512xf32, #tpu.memory_space<vmem_shared>>) target(%dma_start3A_246 : memref<512xf32, #tpu.memory_space<vmem>>) target_semaphore(%arg12 : memref<!tpu.dma_semaphore, #tpu.memory_space<semaphore_mem>>)
      %slice3A_250 = vector.extract_strided_slice %shift_right_logical3A_67 {offsets = [11], sizes = [1], strides = [1]} : vector<16xi32> to vector<1xi32>
      %squeeze3A_251 = vector.extract %slice3A_250[0] : i32 from vector<1xi32>
      %add3A_252 = arith.constant 11 : i32
      %add3A_253 = arith.addi %mul3A_43, %add3A_252 : i32
      %dma_start3A_254 = arith.constant 0 : i32
      %dma_start3A_255 = tpu.memref_slice %arg8[%add3A_253, %dma_start3A_254] : memref<32x1536xf32, #tpu.memory_space<vmem>> -> memref<1x512xf32, #tpu.memory_space<vmem>>
      %dma_start3A_256 = tpu.memref_squeeze %dma_start3A_255 : memref<1x512xf32, #tpu.memory_space<vmem>> -> memref<512xf32, #tpu.memory_space<vmem>>
      %dma_start3A_257 = arith.constant 0 : i32
      %dma_start3A_258 = tpu.memref_slice %arg9[%squeeze3A_251, %dma_start3A_257] : memref<16x512xf32, #tpu.memory_space<vmem_shared>> -> memref<1x512xf32, #tpu.memory_space<vmem_shared>>
      %dma_start3A_259 = tpu.memref_squeeze %dma_start3A_258 : memref<1x512xf32, #tpu.memory_space<vmem_shared>> -> memref<512xf32, #tpu.memory_space<vmem_shared>>
      %dma_start3A_260 = arith.constant 0 : i32
      %dma_start3A_261 = tpu.memref_slice %arg8[%add3A_253, %dma_start3A_260] : memref<32x1536xf32, #tpu.memory_space<vmem>> -> memref<1x512xf32, #tpu.memory_space<vmem>>
      %dma_start3A_262 = tpu.memref_squeeze %dma_start3A_261 : memref<1x512xf32, #tpu.memory_space<vmem>> -> memref<512xf32, #tpu.memory_space<vmem>>
      %dma_start3A_263 = arith.constant 0 : i32
      %dma_start3A_264 = tpu.memref_slice %arg9[%squeeze3A_251, %dma_start3A_263] : memref<16x512xf32, #tpu.memory_space<vmem_shared>> -> memref<1x512xf32, #tpu.memory_space<vmem_shared>>
      %dma_start3A_265 = tpu.memref_squeeze %dma_start3A_264 : memref<1x512xf32, #tpu.memory_space<vmem_shared>> -> memref<512xf32, #tpu.memory_space<vmem_shared>>
      tpu.enqueue_dma source(%dma_start3A_265 : memref<512xf32, #tpu.memory_space<vmem_shared>>) target(%dma_start3A_262 : memref<512xf32, #tpu.memory_space<vmem>>) target_semaphore(%arg12 : memref<!tpu.dma_semaphore, #tpu.memory_space<semaphore_mem>>)
      %slice3A_266 = vector.extract_strided_slice %shift_right_logical3A_67 {offsets = [12], sizes = [1], strides = [1]} : vector<16xi32> to vector<1xi32>
      %squeeze3A_267 = vector.extract %slice3A_266[0] : i32 from vector<1xi32>
      %add3A_268 = arith.constant 12 : i32
      %add3A_269 = arith.addi %mul3A_43, %add3A_268 : i32
      %dma_start3A_270 = arith.constant 0 : i32
      %dma_start3A_271 = tpu.memref_slice %arg8[%add3A_269, %dma_start3A_270] : memref<32x1536xf32, #tpu.memory_space<vmem>> -> memref<1x512xf32, #tpu.memory_space<vmem>>
      %dma_start3A_272 = tpu.memref_squeeze %dma_start3A_271 : memref<1x512xf32, #tpu.memory_space<vmem>> -> memref<512xf32, #tpu.memory_space<vmem>>
      %dma_start3A_273 = arith.constant 0 : i32
      %dma_start3A_274 = tpu.memref_slice %arg9[%squeeze3A_267, %dma_start3A_273] : memref<16x512xf32, #tpu.memory_space<vmem_shared>> -> memref<1x512xf32, #tpu.memory_space<vmem_shared>>
      %dma_start3A_275 = tpu.memref_squeeze %dma_start3A_274 : memref<1x512xf32, #tpu.memory_space<vmem_shared>> -> memref<512xf32, #tpu.memory_space<vmem_shared>>
      %dma_start3A_276 = arith.constant 0 : i32
      %dma_start3A_277 = tpu.memref_slice %arg8[%add3A_269, %dma_start3A_276] : memref<32x1536xf32, #tpu.memory_space<vmem>> -> memref<1x512xf32, #tpu.memory_space<vmem>>
      %dma_start3A_278 = tpu.memref_squeeze %dma_start3A_277 : memref<1x512xf32, #tpu.memory_space<vmem>> -> memref<512xf32, #tpu.memory_space<vmem>>
      %dma_start3A_279 = arith.constant 0 : i32
      %dma_start3A_280 = tpu.memref_slice %arg9[%squeeze3A_267, %dma_start3A_279] : memref<16x512xf32, #tpu.memory_space<vmem_shared>> -> memref<1x512xf32, #tpu.memory_space<vmem_shared>>
      %dma_start3A_281 = tpu.memref_squeeze %dma_start3A_280 : memref<1x512xf32, #tpu.memory_space<vmem_shared>> -> memref<512xf32, #tpu.memory_space<vmem_shared>>
      tpu.enqueue_dma source(%dma_start3A_281 : memref<512xf32, #tpu.memory_space<vmem_shared>>) target(%dma_start3A_278 : memref<512xf32, #tpu.memory_space<vmem>>) target_semaphore(%arg12 : memref<!tpu.dma_semaphore, #tpu.memory_space<semaphore_mem>>)
      %slice3A_282 = vector.extract_strided_slice %shift_right_logical3A_67 {offsets = [13], sizes = [1], strides = [1]} : vector<16xi32> to vector<1xi32>
      %squeeze3A_283 = vector.extract %slice3A_282[0] : i32 from vector<1xi32>
      %add3A_284 = arith.constant 13 : i32
      %add3A_285 = arith.addi %mul3A_43, %add3A_284 : i32
      %dma_start3A_286 = arith.constant 0 : i32
      %dma_start3A_287 = tpu.memref_slice %arg8[%add3A_285, %dma_start3A_286] : memref<32x1536xf32, #tpu.memory_space<vmem>> -> memref<1x512xf32, #tpu.memory_space<vmem>>
      %dma_start3A_288 = tpu.memref_squeeze %dma_start3A_287 : memref<1x512xf32, #tpu.memory_space<vmem>> -> memref<512xf32, #tpu.memory_space<vmem>>
      %dma_start3A_289 = arith.constant 0 : i32
      %dma_start3A_290 = tpu.memref_slice %arg9[%squeeze3A_283, %dma_start3A_289] : memref<16x512xf32, #tpu.memory_space<vmem_shared>> -> memref<1x512xf32, #tpu.memory_space<vmem_shared>>
      %dma_start3A_291 = tpu.memref_squeeze %dma_start3A_290 : memref<1x512xf32, #tpu.memory_space<vmem_shared>> -> memref<512xf32, #tpu.memory_space<vmem_shared>>
      %dma_start3A_292 = arith.constant 0 : i32
      %dma_start3A_293 = tpu.memref_slice %arg8[%add3A_285, %dma_start3A_292] : memref<32x1536xf32, #tpu.memory_space<vmem>> -> memref<1x512xf32, #tpu.memory_space<vmem>>
      %dma_start3A_294 = tpu.memref_squeeze %dma_start3A_293 : memref<1x512xf32, #tpu.memory_space<vmem>> -> memref<512xf32, #tpu.memory_space<vmem>>
      %dma_start3A_295 = arith.constant 0 : i32
      %dma_start3A_296 = tpu.memref_slice %arg9[%squeeze3A_283, %dma_start3A_295] : memref<16x512xf32, #tpu.memory_space<vmem_shared>> -> memref<1x512xf32, #tpu.memory_space<vmem_shared>>
      %dma_start3A_297 = tpu.memref_squeeze %dma_start3A_296 : memref<1x512xf32, #tpu.memory_space<vmem_shared>> -> memref<512xf32, #tpu.memory_space<vmem_shared>>
      tpu.enqueue_dma source(%dma_start3A_297 : memref<512xf32, #tpu.memory_space<vmem_shared>>) target(%dma_start3A_294 : memref<512xf32, #tpu.memory_space<vmem>>) target_semaphore(%arg12 : memref<!tpu.dma_semaphore, #tpu.memory_space<semaphore_mem>>)
      %slice3A_298 = vector.extract_strided_slice %shift_right_logical3A_67 {offsets = [14], sizes = [1], strides = [1]} : vector<16xi32> to vector<1xi32>
      %squeeze3A_299 = vector.extract %slice3A_298[0] : i32 from vector<1xi32>
      %add3A_300 = arith.constant 14 : i32
      %add3A_301 = arith.addi %mul3A_43, %add3A_300 : i32
      %dma_start3A_302 = arith.constant 0 : i32
      %dma_start3A_303 = tpu.memref_slice %arg8[%add3A_301, %dma_start3A_302] : memref<32x1536xf32, #tpu.memory_space<vmem>> -> memref<1x512xf32, #tpu.memory_space<vmem>>
      %dma_start3A_304 = tpu.memref_squeeze %dma_start3A_303 : memref<1x512xf32, #tpu.memory_space<vmem>> -> memref<512xf32, #tpu.memory_space<vmem>>
      %dma_start3A_305 = arith.constant 0 : i32
      %dma_start3A_306 = tpu.memref_slice %arg9[%squeeze3A_299, %dma_start3A_305] : memref<16x512xf32, #tpu.memory_space<vmem_shared>> -> memref<1x512xf32, #tpu.memory_space<vmem_shared>>
      %dma_start3A_307 = tpu.memref_squeeze %dma_start3A_306 : memref<1x512xf32, #tpu.memory_space<vmem_shared>> -> memref<512xf32, #tpu.memory_space<vmem_shared>>
      %dma_start3A_308 = arith.constant 0 : i32
      %dma_start3A_309 = tpu.memref_slice %arg8[%add3A_301, %dma_start3A_308] : memref<32x1536xf32, #tpu.memory_space<vmem>> -> memref<1x512xf32, #tpu.memory_space<vmem>>
      %dma_start3A_310 = tpu.memref_squeeze %dma_start3A_309 : memref<1x512xf32, #tpu.memory_space<vmem>> -> memref<512xf32, #tpu.memory_space<vmem>>
      %dma_start3A_311 = arith.constant 0 : i32
      %dma_start3A_312 = tpu.memref_slice %arg9[%squeeze3A_299, %dma_start3A_311] : memref<16x512xf32, #tpu.memory_space<vmem_shared>> -> memref<1x512xf32, #tpu.memory_space<vmem_shared>>
      %dma_start3A_313 = tpu.memref_squeeze %dma_start3A_312 : memref<1x512xf32, #tpu.memory_space<vmem_shared>> -> memref<512xf32, #tpu.memory_space<vmem_shared>>
      tpu.enqueue_dma source(%dma_start3A_313 : memref<512xf32, #tpu.memory_space<vmem_shared>>) target(%dma_start3A_310 : memref<512xf32, #tpu.memory_space<vmem>>) target_semaphore(%arg12 : memref<!tpu.dma_semaphore, #tpu.memory_space<semaphore_mem>>)
      %slice3A_314 = vector.extract_strided_slice %shift_right_logical3A_67 {offsets = [15], sizes = [1], strides = [1]} : vector<16xi32> to vector<1xi32>
      %squeeze3A_315 = vector.extract %slice3A_314[0] : i32 from vector<1xi32>
      %add3A_316 = arith.constant 15 : i32
      %add3A_317 = arith.addi %mul3A_43, %add3A_316 : i32
      %dma_start3A_318 = arith.constant 0 : i32
      %dma_start3A_319 = tpu.memref_slice %arg8[%add3A_317, %dma_start3A_318] : memref<32x1536xf32, #tpu.memory_space<vmem>> -> memref<1x512xf32, #tpu.memory_space<vmem>>
      %dma_start3A_320 = tpu.memref_squeeze %dma_start3A_319 : memref<1x512xf32, #tpu.memory_space<vmem>> -> memref<512xf32, #tpu.memory_space<vmem>>
      %dma_start3A_321 = arith.constant 0 : i32
      %dma_start3A_322 = tpu.memref_slice %arg9[%squeeze3A_315, %dma_start3A_321] : memref<16x512xf32, #tpu.memory_space<vmem_shared>> -> memref<1x512xf32, #tpu.memory_space<vmem_shared>>
      %dma_start3A_323 = tpu.memref_squeeze %dma_start3A_322 : memref<1x512xf32, #tpu.memory_space<vmem_shared>> -> memref<512xf32, #tpu.memory_space<vmem_shared>>
      %dma_start3A_324 = arith.constant 0 : i32
      %dma_start3A_325 = tpu.memref_slice %arg8[%add3A_317, %dma_start3A_324] : memref<32x1536xf32, #tpu.memory_space<vmem>> -> memref<1x512xf32, #tpu.memory_space<vmem>>
      %dma_start3A_326 = tpu.memref_squeeze %dma_start3A_325 : memref<1x512xf32, #tpu.memory_space<vmem>> -> memref<512xf32, #tpu.memory_space<vmem>>
      %dma_start3A_327 = arith.constant 0 : i32
      %dma_start3A_328 = tpu.memref_slice %arg9[%squeeze3A_315, %dma_start3A_327] : memref<16x512xf32, #tpu.memory_space<vmem_shared>> -> memref<1x512xf32, #tpu.memory_space<vmem_shared>>
      %dma_start3A_329 = tpu.memref_squeeze %dma_start3A_328 : memref<1x512xf32, #tpu.memory_space<vmem_shared>> -> memref<512xf32, #tpu.memory_space<vmem_shared>>
      tpu.enqueue_dma source(%dma_start3A_329 : memref<512xf32, #tpu.memory_space<vmem_shared>>) target(%dma_start3A_326 : memref<512xf32, #tpu.memory_space<vmem>>) target_semaphore(%arg12 : memref<!tpu.dma_semaphore, #tpu.memory_space<semaphore_mem>>)
      %slice3A_330 = vector.extract_strided_slice %and3A_73 {offsets = [0], sizes = [1], strides = [1]} : vector<16xi32> to vector<1xi32>
      %squeeze3A_331 = vector.extract %slice3A_330[0] : i32 from vector<1xi32>
      %add3A_332 = arith.constant 0 : i32
      %add3A_333 = arith.addi %mul3A_43, %add3A_332 : i32
      %dma_start3A_334 = arith.constant 512 : i32
      %dma_start3A_335 = tpu.memref_slice %arg8[%add3A_333, %dma_start3A_334] : memref<32x1536xf32, #tpu.memory_space<vmem>> -> memref<1x512xf32, #tpu.memory_space<vmem>>
      %dma_start3A_336 = tpu.memref_squeeze %dma_start3A_335 : memref<1x512xf32, #tpu.memory_space<vmem>> -> memref<512xf32, #tpu.memory_space<vmem>>
      %dma_start3A_337 = arith.constant 0 : i32
      %dma_start3A_338 = tpu.memref_slice %arg10[%squeeze3A_331, %dma_start3A_337] : memref<32x512xf32, #tpu.memory_space<vmem_shared>> -> memref<1x512xf32, #tpu.memory_space<vmem_shared>>
      %dma_start3A_339 = tpu.memref_squeeze %dma_start3A_338 : memref<1x512xf32, #tpu.memory_space<vmem_shared>> -> memref<512xf32, #tpu.memory_space<vmem_shared>>
      %dma_start3A_340 = arith.constant 512 : i32
      %dma_start3A_341 = tpu.memref_slice %arg8[%add3A_333, %dma_start3A_340] : memref<32x1536xf32, #tpu.memory_space<vmem>> -> memref<1x512xf32, #tpu.memory_space<vmem>>
      %dma_start3A_342 = tpu.memref_squeeze %dma_start3A_341 : memref<1x512xf32, #tpu.memory_space<vmem>> -> memref<512xf32, #tpu.memory_space<vmem>>
      %dma_start3A_343 = arith.constant 0 : i32
      %dma_start3A_344 = tpu.memref_slice %arg10[%squeeze3A_331, %dma_start3A_343] : memref<32x512xf32, #tpu.memory_space<vmem_shared>> -> memref<1x512xf32, #tpu.memory_space<vmem_shared>>
      %dma_start3A_345 = tpu.memref_squeeze %dma_start3A_344 : memref<1x512xf32, #tpu.memory_space<vmem_shared>> -> memref<512xf32, #tpu.memory_space<vmem_shared>>
      tpu.enqueue_dma source(%dma_start3A_345 : memref<512xf32, #tpu.memory_space<vmem_shared>>) target(%dma_start3A_342 : memref<512xf32, #tpu.memory_space<vmem>>) target_semaphore(%arg12 : memref<!tpu.dma_semaphore, #tpu.memory_space<semaphore_mem>>)
      %slice3A_346 = vector.extract_strided_slice %and3A_73 {offsets = [1], sizes = [1], strides = [1]} : vector<16xi32> to vector<1xi32>
      %squeeze3A_347 = vector.extract %slice3A_346[0] : i32 from vector<1xi32>
      %add3A_348 = arith.constant 1 : i32
      %add3A_349 = arith.addi %mul3A_43, %add3A_348 : i32
      %dma_start3A_350 = arith.constant 512 : i32
      %dma_start3A_351 = tpu.memref_slice %arg8[%add3A_349, %dma_start3A_350] : memref<32x1536xf32, #tpu.memory_space<vmem>> -> memref<1x512xf32, #tpu.memory_space<vmem>>
      %dma_start3A_352 = tpu.memref_squeeze %dma_start3A_351 : memref<1x512xf32, #tpu.memory_space<vmem>> -> memref<512xf32, #tpu.memory_space<vmem>>
      %dma_start3A_353 = arith.constant 0 : i32
      %dma_start3A_354 = tpu.memref_slice %arg10[%squeeze3A_347, %dma_start3A_353] : memref<32x512xf32, #tpu.memory_space<vmem_shared>> -> memref<1x512xf32, #tpu.memory_space<vmem_shared>>
      %dma_start3A_355 = tpu.memref_squeeze %dma_start3A_354 : memref<1x512xf32, #tpu.memory_space<vmem_shared>> -> memref<512xf32, #tpu.memory_space<vmem_shared>>
      %dma_start3A_356 = arith.constant 512 : i32
      %dma_start3A_357 = tpu.memref_slice %arg8[%add3A_349, %dma_start3A_356] : memref<32x1536xf32, #tpu.memory_space<vmem>> -> memref<1x512xf32, #tpu.memory_space<vmem>>
      %dma_start3A_358 = tpu.memref_squeeze %dma_start3A_357 : memref<1x512xf32, #tpu.memory_space<vmem>> -> memref<512xf32, #tpu.memory_space<vmem>>
      %dma_start3A_359 = arith.constant 0 : i32
      %dma_start3A_360 = tpu.memref_slice %arg10[%squeeze3A_347, %dma_start3A_359] : memref<32x512xf32, #tpu.memory_space<vmem_shared>> -> memref<1x512xf32, #tpu.memory_space<vmem_shared>>
      %dma_start3A_361 = tpu.memref_squeeze %dma_start3A_360 : memref<1x512xf32, #tpu.memory_space<vmem_shared>> -> memref<512xf32, #tpu.memory_space<vmem_shared>>
      tpu.enqueue_dma source(%dma_start3A_361 : memref<512xf32, #tpu.memory_space<vmem_shared>>) target(%dma_start3A_358 : memref<512xf32, #tpu.memory_space<vmem>>) target_semaphore(%arg12 : memref<!tpu.dma_semaphore, #tpu.memory_space<semaphore_mem>>)
      %slice3A_362 = vector.extract_strided_slice %and3A_73 {offsets = [2], sizes = [1], strides = [1]} : vector<16xi32> to vector<1xi32>
      %squeeze3A_363 = vector.extract %slice3A_362[0] : i32 from vector<1xi32>
      %add3A_364 = arith.constant 2 : i32
      %add3A_365 = arith.addi %mul3A_43, %add3A_364 : i32
      %dma_start3A_366 = arith.constant 512 : i32
      %dma_start3A_367 = tpu.memref_slice %arg8[%add3A_365, %dma_start3A_366] : memref<32x1536xf32, #tpu.memory_space<vmem>> -> memref<1x512xf32, #tpu.memory_space<vmem>>
      %dma_start3A_368 = tpu.memref_squeeze %dma_start3A_367 : memref<1x512xf32, #tpu.memory_space<vmem>> -> memref<512xf32, #tpu.memory_space<vmem>>
      %dma_start3A_369 = arith.constant 0 : i32
      %dma_start3A_370 = tpu.memref_slice %arg10[%squeeze3A_363, %dma_start3A_369] : memref<32x512xf32, #tpu.memory_space<vmem_shared>> -> memref<1x512xf32, #tpu.memory_space<vmem_shared>>
      %dma_start3A_371 = tpu.memref_squeeze %dma_start3A_370 : memref<1x512xf32, #tpu.memory_space<vmem_shared>> -> memref<512xf32, #tpu.memory_space<vmem_shared>>
      %dma_start3A_372 = arith.constant 512 : i32
      %dma_start3A_373 = tpu.memref_slice %arg8[%add3A_365, %dma_start3A_372] : memref<32x1536xf32, #tpu.memory_space<vmem>> -> memref<1x512xf32, #tpu.memory_space<vmem>>
      %dma_start3A_374 = tpu.memref_squeeze %dma_start3A_373 : memref<1x512xf32, #tpu.memory_space<vmem>> -> memref<512xf32, #tpu.memory_space<vmem>>
      %dma_start3A_375 = arith.constant 0 : i32
      %dma_start3A_376 = tpu.memref_slice %arg10[%squeeze3A_363, %dma_start3A_375] : memref<32x512xf32, #tpu.memory_space<vmem_shared>> -> memref<1x512xf32, #tpu.memory_space<vmem_shared>>
      %dma_start3A_377 = tpu.memref_squeeze %dma_start3A_376 : memref<1x512xf32, #tpu.memory_space<vmem_shared>> -> memref<512xf32, #tpu.memory_space<vmem_shared>>
      tpu.enqueue_dma source(%dma_start3A_377 : memref<512xf32, #tpu.memory_space<vmem_shared>>) target(%dma_start3A_374 : memref<512xf32, #tpu.memory_space<vmem>>) target_semaphore(%arg12 : memref<!tpu.dma_semaphore, #tpu.memory_space<semaphore_mem>>)
      %slice3A_378 = vector.extract_strided_slice %and3A_73 {offsets = [3], sizes = [1], strides = [1]} : vector<16xi32> to vector<1xi32>
      %squeeze3A_379 = vector.extract %slice3A_378[0] : i32 from vector<1xi32>
      %add3A_380 = arith.constant 3 : i32
      %add3A_381 = arith.addi %mul3A_43, %add3A_380 : i32
      %dma_start3A_382 = arith.constant 512 : i32
      %dma_start3A_383 = tpu.memref_slice %arg8[%add3A_381, %dma_start3A_382] : memref<32x1536xf32, #tpu.memory_space<vmem>> -> memref<1x512xf32, #tpu.memory_space<vmem>>
      %dma_start3A_384 = tpu.memref_squeeze %dma_start3A_383 : memref<1x512xf32, #tpu.memory_space<vmem>> -> memref<512xf32, #tpu.memory_space<vmem>>
      %dma_start3A_385 = arith.constant 0 : i32
      %dma_start3A_386 = tpu.memref_slice %arg10[%squeeze3A_379, %dma_start3A_385] : memref<32x512xf32, #tpu.memory_space<vmem_shared>> -> memref<1x512xf32, #tpu.memory_space<vmem_shared>>
      %dma_start3A_387 = tpu.memref_squeeze %dma_start3A_386 : memref<1x512xf32, #tpu.memory_space<vmem_shared>> -> memref<512xf32, #tpu.memory_space<vmem_shared>>
      %dma_start3A_388 = arith.constant 512 : i32
      %dma_start3A_389 = tpu.memref_slice %arg8[%add3A_381, %dma_start3A_388] : memref<32x1536xf32, #tpu.memory_space<vmem>> -> memref<1x512xf32, #tpu.memory_space<vmem>>
      %dma_start3A_390 = tpu.memref_squeeze %dma_start3A_389 : memref<1x512xf32, #tpu.memory_space<vmem>> -> memref<512xf32, #tpu.memory_space<vmem>>
      %dma_start3A_391 = arith.constant 0 : i32
      %dma_start3A_392 = tpu.memref_slice %arg10[%squeeze3A_379, %dma_start3A_391] : memref<32x512xf32, #tpu.memory_space<vmem_shared>> -> memref<1x512xf32, #tpu.memory_space<vmem_shared>>
      %dma_start3A_393 = tpu.memref_squeeze %dma_start3A_392 : memref<1x512xf32, #tpu.memory_space<vmem_shared>> -> memref<512xf32, #tpu.memory_space<vmem_shared>>
      tpu.enqueue_dma source(%dma_start3A_393 : memref<512xf32, #tpu.memory_space<vmem_shared>>) target(%dma_start3A_390 : memref<512xf32, #tpu.memory_space<vmem>>) target_semaphore(%arg12 : memref<!tpu.dma_semaphore, #tpu.memory_space<semaphore_mem>>)
      %slice3A_394 = vector.extract_strided_slice %and3A_73 {offsets = [4], sizes = [1], strides = [1]} : vector<16xi32> to vector<1xi32>
      %squeeze3A_395 = vector.extract %slice3A_394[0] : i32 from vector<1xi32>
      %add3A_396 = arith.constant 4 : i32
      %add3A_397 = arith.addi %mul3A_43, %add3A_396 : i32
      %dma_start3A_398 = arith.constant 512 : i32
      %dma_start3A_399 = tpu.memref_slice %arg8[%add3A_397, %dma_start3A_398] : memref<32x1536xf32, #tpu.memory_space<vmem>> -> memref<1x512xf32, #tpu.memory_space<vmem>>
      %dma_start3A_400 = tpu.memref_squeeze %dma_start3A_399 : memref<1x512xf32, #tpu.memory_space<vmem>> -> memref<512xf32, #tpu.memory_space<vmem>>
      %dma_start3A_401 = arith.constant 0 : i32
      %dma_start3A_402 = tpu.memref_slice %arg10[%squeeze3A_395, %dma_start3A_401] : memref<32x512xf32, #tpu.memory_space<vmem_shared>> -> memref<1x512xf32, #tpu.memory_space<vmem_shared>>
      %dma_start3A_403 = tpu.memref_squeeze %dma_start3A_402 : memref<1x512xf32, #tpu.memory_space<vmem_shared>> -> memref<512xf32, #tpu.memory_space<vmem_shared>>
      %dma_start3A_404 = arith.constant 512 : i32
      %dma_start3A_405 = tpu.memref_slice %arg8[%add3A_397, %dma_start3A_404] : memref<32x1536xf32, #tpu.memory_space<vmem>> -> memref<1x512xf32, #tpu.memory_space<vmem>>
      %dma_start3A_406 = tpu.memref_squeeze %dma_start3A_405 : memref<1x512xf32, #tpu.memory_space<vmem>> -> memref<512xf32, #tpu.memory_space<vmem>>
      %dma_start3A_407 = arith.constant 0 : i32
      %dma_start3A_408 = tpu.memref_slice %arg10[%squeeze3A_395, %dma_start3A_407] : memref<32x512xf32, #tpu.memory_space<vmem_shared>> -> memref<1x512xf32, #tpu.memory_space<vmem_shared>>
      %dma_start3A_409 = tpu.memref_squeeze %dma_start3A_408 : memref<1x512xf32, #tpu.memory_space<vmem_shared>> -> memref<512xf32, #tpu.memory_space<vmem_shared>>
      tpu.enqueue_dma source(%dma_start3A_409 : memref<512xf32, #tpu.memory_space<vmem_shared>>) target(%dma_start3A_406 : memref<512xf32, #tpu.memory_space<vmem>>) target_semaphore(%arg12 : memref<!tpu.dma_semaphore, #tpu.memory_space<semaphore_mem>>)
      %slice3A_410 = vector.extract_strided_slice %and3A_73 {offsets = [5], sizes = [1], strides = [1]} : vector<16xi32> to vector<1xi32>
      %squeeze3A_411 = vector.extract %slice3A_410[0] : i32 from vector<1xi32>
      %add3A_412 = arith.constant 5 : i32
      %add3A_413 = arith.addi %mul3A_43, %add3A_412 : i32
      %dma_start3A_414 = arith.constant 512 : i32
      %dma_start3A_415 = tpu.memref_slice %arg8[%add3A_413, %dma_start3A_414] : memref<32x1536xf32, #tpu.memory_space<vmem>> -> memref<1x512xf32, #tpu.memory_space<vmem>>
      %dma_start3A_416 = tpu.memref_squeeze %dma_start3A_415 : memref<1x512xf32, #tpu.memory_space<vmem>> -> memref<512xf32, #tpu.memory_space<vmem>>
      %dma_start3A_417 = arith.constant 0 : i32
      %dma_start3A_418 = tpu.memref_slice %arg10[%squeeze3A_411, %dma_start3A_417] : memref<32x512xf32, #tpu.memory_space<vmem_shared>> -> memref<1x512xf32, #tpu.memory_space<vmem_shared>>
      %dma_start3A_419 = tpu.memref_squeeze %dma_start3A_418 : memref<1x512xf32, #tpu.memory_space<vmem_shared>> -> memref<512xf32, #tpu.memory_space<vmem_shared>>
      %dma_start3A_420 = arith.constant 512 : i32
      %dma_start3A_421 = tpu.memref_slice %arg8[%add3A_413, %dma_start3A_420] : memref<32x1536xf32, #tpu.memory_space<vmem>> -> memref<1x512xf32, #tpu.memory_space<vmem>>
      %dma_start3A_422 = tpu.memref_squeeze %dma_start3A_421 : memref<1x512xf32, #tpu.memory_space<vmem>> -> memref<512xf32, #tpu.memory_space<vmem>>
      %dma_start3A_423 = arith.constant 0 : i32
      %dma_start3A_424 = tpu.memref_slice %arg10[%squeeze3A_411, %dma_start3A_423] : memref<32x512xf32, #tpu.memory_space<vmem_shared>> -> memref<1x512xf32, #tpu.memory_space<vmem_shared>>
      %dma_start3A_425 = tpu.memref_squeeze %dma_start3A_424 : memref<1x512xf32, #tpu.memory_space<vmem_shared>> -> memref<512xf32, #tpu.memory_space<vmem_shared>>
      tpu.enqueue_dma source(%dma_start3A_425 : memref<512xf32, #tpu.memory_space<vmem_shared>>) target(%dma_start3A_422 : memref<512xf32, #tpu.memory_space<vmem>>) target_semaphore(%arg12 : memref<!tpu.dma_semaphore, #tpu.memory_space<semaphore_mem>>)
      %slice3A_426 = vector.extract_strided_slice %and3A_73 {offsets = [6], sizes = [1], strides = [1]} : vector<16xi32> to vector<1xi32>
      %squeeze3A_427 = vector.extract %slice3A_426[0] : i32 from vector<1xi32>
      %add3A_428 = arith.constant 6 : i32
      %add3A_429 = arith.addi %mul3A_43, %add3A_428 : i32
      %dma_start3A_430 = arith.constant 512 : i32
      %dma_start3A_431 = tpu.memref_slice %arg8[%add3A_429, %dma_start3A_430] : memref<32x1536xf32, #tpu.memory_space<vmem>> -> memref<1x512xf32, #tpu.memory_space<vmem>>
      %dma_start3A_432 = tpu.memref_squeeze %dma_start3A_431 : memref<1x512xf32, #tpu.memory_space<vmem>> -> memref<512xf32, #tpu.memory_space<vmem>>
      %dma_start3A_433 = arith.constant 0 : i32
      %dma_start3A_434 = tpu.memref_slice %arg10[%squeeze3A_427, %dma_start3A_433] : memref<32x512xf32, #tpu.memory_space<vmem_shared>> -> memref<1x512xf32, #tpu.memory_space<vmem_shared>>
      %dma_start3A_435 = tpu.memref_squeeze %dma_start3A_434 : memref<1x512xf32, #tpu.memory_space<vmem_shared>> -> memref<512xf32, #tpu.memory_space<vmem_shared>>
      %dma_start3A_436 = arith.constant 512 : i32
      %dma_start3A_437 = tpu.memref_slice %arg8[%add3A_429, %dma_start3A_436] : memref<32x1536xf32, #tpu.memory_space<vmem>> -> memref<1x512xf32, #tpu.memory_space<vmem>>
      %dma_start3A_438 = tpu.memref_squeeze %dma_start3A_437 : memref<1x512xf32, #tpu.memory_space<vmem>> -> memref<512xf32, #tpu.memory_space<vmem>>
      %dma_start3A_439 = arith.constant 0 : i32
      %dma_start3A_440 = tpu.memref_slice %arg10[%squeeze3A_427, %dma_start3A_439] : memref<32x512xf32, #tpu.memory_space<vmem_shared>> -> memref<1x512xf32, #tpu.memory_space<vmem_shared>>
      %dma_start3A_441 = tpu.memref_squeeze %dma_start3A_440 : memref<1x512xf32, #tpu.memory_space<vmem_shared>> -> memref<512xf32, #tpu.memory_space<vmem_shared>>
      tpu.enqueue_dma source(%dma_start3A_441 : memref<512xf32, #tpu.memory_space<vmem_shared>>) target(%dma_start3A_438 : memref<512xf32, #tpu.memory_space<vmem>>) target_semaphore(%arg12 : memref<!tpu.dma_semaphore, #tpu.memory_space<semaphore_mem>>)
      %slice3A_442 = vector.extract_strided_slice %and3A_73 {offsets = [7], sizes = [1], strides = [1]} : vector<16xi32> to vector<1xi32>
      %squeeze3A_443 = vector.extract %slice3A_442[0] : i32 from vector<1xi32>
      %add3A_444 = arith.constant 7 : i32
      %add3A_445 = arith.addi %mul3A_43, %add3A_444 : i32
      %dma_start3A_446 = arith.constant 512 : i32
      %dma_start3A_447 = tpu.memref_slice %arg8[%add3A_445, %dma_start3A_446] : memref<32x1536xf32, #tpu.memory_space<vmem>> -> memref<1x512xf32, #tpu.memory_space<vmem>>
      %dma_start3A_448 = tpu.memref_squeeze %dma_start3A_447 : memref<1x512xf32, #tpu.memory_space<vmem>> -> memref<512xf32, #tpu.memory_space<vmem>>
      %dma_start3A_449 = arith.constant 0 : i32
      %dma_start3A_450 = tpu.memref_slice %arg10[%squeeze3A_443, %dma_start3A_449] : memref<32x512xf32, #tpu.memory_space<vmem_shared>> -> memref<1x512xf32, #tpu.memory_space<vmem_shared>>
      %dma_start3A_451 = tpu.memref_squeeze %dma_start3A_450 : memref<1x512xf32, #tpu.memory_space<vmem_shared>> -> memref<512xf32, #tpu.memory_space<vmem_shared>>
      %dma_start3A_452 = arith.constant 512 : i32
      %dma_start3A_453 = tpu.memref_slice %arg8[%add3A_445, %dma_start3A_452] : memref<32x1536xf32, #tpu.memory_space<vmem>> -> memref<1x512xf32, #tpu.memory_space<vmem>>
      %dma_start3A_454 = tpu.memref_squeeze %dma_start3A_453 : memref<1x512xf32, #tpu.memory_space<vmem>> -> memref<512xf32, #tpu.memory_space<vmem>>
      %dma_start3A_455 = arith.constant 0 : i32
      %dma_start3A_456 = tpu.memref_slice %arg10[%squeeze3A_443, %dma_start3A_455] : memref<32x512xf32, #tpu.memory_space<vmem_shared>> -> memref<1x512xf32, #tpu.memory_space<vmem_shared>>
      %dma_start3A_457 = tpu.memref_squeeze %dma_start3A_456 : memref<1x512xf32, #tpu.memory_space<vmem_shared>> -> memref<512xf32, #tpu.memory_space<vmem_shared>>
      tpu.enqueue_dma source(%dma_start3A_457 : memref<512xf32, #tpu.memory_space<vmem_shared>>) target(%dma_start3A_454 : memref<512xf32, #tpu.memory_space<vmem>>) target_semaphore(%arg12 : memref<!tpu.dma_semaphore, #tpu.memory_space<semaphore_mem>>)
      %slice3A_458 = vector.extract_strided_slice %and3A_73 {offsets = [8], sizes = [1], strides = [1]} : vector<16xi32> to vector<1xi32>
      %squeeze3A_459 = vector.extract %slice3A_458[0] : i32 from vector<1xi32>
      %add3A_460 = arith.constant 8 : i32
      %add3A_461 = arith.addi %mul3A_43, %add3A_460 : i32
      %dma_start3A_462 = arith.constant 512 : i32
      %dma_start3A_463 = tpu.memref_slice %arg8[%add3A_461, %dma_start3A_462] : memref<32x1536xf32, #tpu.memory_space<vmem>> -> memref<1x512xf32, #tpu.memory_space<vmem>>
      %dma_start3A_464 = tpu.memref_squeeze %dma_start3A_463 : memref<1x512xf32, #tpu.memory_space<vmem>> -> memref<512xf32, #tpu.memory_space<vmem>>
      %dma_start3A_465 = arith.constant 0 : i32
      %dma_start3A_466 = tpu.memref_slice %arg10[%squeeze3A_459, %dma_start3A_465] : memref<32x512xf32, #tpu.memory_space<vmem_shared>> -> memref<1x512xf32, #tpu.memory_space<vmem_shared>>
      %dma_start3A_467 = tpu.memref_squeeze %dma_start3A_466 : memref<1x512xf32, #tpu.memory_space<vmem_shared>> -> memref<512xf32, #tpu.memory_space<vmem_shared>>
      %dma_start3A_468 = arith.constant 512 : i32
      %dma_start3A_469 = tpu.memref_slice %arg8[%add3A_461, %dma_start3A_468] : memref<32x1536xf32, #tpu.memory_space<vmem>> -> memref<1x512xf32, #tpu.memory_space<vmem>>
      %dma_start3A_470 = tpu.memref_squeeze %dma_start3A_469 : memref<1x512xf32, #tpu.memory_space<vmem>> -> memref<512xf32, #tpu.memory_space<vmem>>
      %dma_start3A_471 = arith.constant 0 : i32
      %dma_start3A_472 = tpu.memref_slice %arg10[%squeeze3A_459, %dma_start3A_471] : memref<32x512xf32, #tpu.memory_space<vmem_shared>> -> memref<1x512xf32, #tpu.memory_space<vmem_shared>>
      %dma_start3A_473 = tpu.memref_squeeze %dma_start3A_472 : memref<1x512xf32, #tpu.memory_space<vmem_shared>> -> memref<512xf32, #tpu.memory_space<vmem_shared>>
      tpu.enqueue_dma source(%dma_start3A_473 : memref<512xf32, #tpu.memory_space<vmem_shared>>) target(%dma_start3A_470 : memref<512xf32, #tpu.memory_space<vmem>>) target_semaphore(%arg12 : memref<!tpu.dma_semaphore, #tpu.memory_space<semaphore_mem>>)
      %slice3A_474 = vector.extract_strided_slice %and3A_73 {offsets = [9], sizes = [1], strides = [1]} : vector<16xi32> to vector<1xi32>
      %squeeze3A_475 = vector.extract %slice3A_474[0] : i32 from vector<1xi32>
      %add3A_476 = arith.constant 9 : i32
      %add3A_477 = arith.addi %mul3A_43, %add3A_476 : i32
      %dma_start3A_478 = arith.constant 512 : i32
      %dma_start3A_479 = tpu.memref_slice %arg8[%add3A_477, %dma_start3A_478] : memref<32x1536xf32, #tpu.memory_space<vmem>> -> memref<1x512xf32, #tpu.memory_space<vmem>>
      %dma_start3A_480 = tpu.memref_squeeze %dma_start3A_479 : memref<1x512xf32, #tpu.memory_space<vmem>> -> memref<512xf32, #tpu.memory_space<vmem>>
      %dma_start3A_481 = arith.constant 0 : i32
      %dma_start3A_482 = tpu.memref_slice %arg10[%squeeze3A_475, %dma_start3A_481] : memref<32x512xf32, #tpu.memory_space<vmem_shared>> -> memref<1x512xf32, #tpu.memory_space<vmem_shared>>
      %dma_start3A_483 = tpu.memref_squeeze %dma_start3A_482 : memref<1x512xf32, #tpu.memory_space<vmem_shared>> -> memref<512xf32, #tpu.memory_space<vmem_shared>>
      %dma_start3A_484 = arith.constant 512 : i32
      %dma_start3A_485 = tpu.memref_slice %arg8[%add3A_477, %dma_start3A_484] : memref<32x1536xf32, #tpu.memory_space<vmem>> -> memref<1x512xf32, #tpu.memory_space<vmem>>
      %dma_start3A_486 = tpu.memref_squeeze %dma_start3A_485 : memref<1x512xf32, #tpu.memory_space<vmem>> -> memref<512xf32, #tpu.memory_space<vmem>>
      %dma_start3A_487 = arith.constant 0 : i32
      %dma_start3A_488 = tpu.memref_slice %arg10[%squeeze3A_475, %dma_start3A_487] : memref<32x512xf32, #tpu.memory_space<vmem_shared>> -> memref<1x512xf32, #tpu.memory_space<vmem_shared>>
      %dma_start3A_489 = tpu.memref_squeeze %dma_start3A_488 : memref<1x512xf32, #tpu.memory_space<vmem_shared>> -> memref<512xf32, #tpu.memory_space<vmem_shared>>
      tpu.enqueue_dma source(%dma_start3A_489 : memref<512xf32, #tpu.memory_space<vmem_shared>>) target(%dma_start3A_486 : memref<512xf32, #tpu.memory_space<vmem>>) target_semaphore(%arg12 : memref<!tpu.dma_semaphore, #tpu.memory_space<semaphore_mem>>)
      %slice3A_490 = vector.extract_strided_slice %and3A_73 {offsets = [10], sizes = [1], strides = [1]} : vector<16xi32> to vector<1xi32>
      %squeeze3A_491 = vector.extract %slice3A_490[0] : i32 from vector<1xi32>
      %add3A_492 = arith.constant 10 : i32
      %add3A_493 = arith.addi %mul3A_43, %add3A_492 : i32
      %dma_start3A_494 = arith.constant 512 : i32
      %dma_start3A_495 = tpu.memref_slice %arg8[%add3A_493, %dma_start3A_494] : memref<32x1536xf32, #tpu.memory_space<vmem>> -> memref<1x512xf32, #tpu.memory_space<vmem>>
      %dma_start3A_496 = tpu.memref_squeeze %dma_start3A_495 : memref<1x512xf32, #tpu.memory_space<vmem>> -> memref<512xf32, #tpu.memory_space<vmem>>
      %dma_start3A_497 = arith.constant 0 : i32
      %dma_start3A_498 = tpu.memref_slice %arg10[%squeeze3A_491, %dma_start3A_497] : memref<32x512xf32, #tpu.memory_space<vmem_shared>> -> memref<1x512xf32, #tpu.memory_space<vmem_shared>>
      %dma_start3A_499 = tpu.memref_squeeze %dma_start3A_498 : memref<1x512xf32, #tpu.memory_space<vmem_shared>> -> memref<512xf32, #tpu.memory_space<vmem_shared>>
      %dma_start3A_500 = arith.constant 512 : i32
      %dma_start3A_501 = tpu.memref_slice %arg8[%add3A_493, %dma_start3A_500] : memref<32x1536xf32, #tpu.memory_space<vmem>> -> memref<1x512xf32, #tpu.memory_space<vmem>>
      %dma_start3A_502 = tpu.memref_squeeze %dma_start3A_501 : memref<1x512xf32, #tpu.memory_space<vmem>> -> memref<512xf32, #tpu.memory_space<vmem>>
      %dma_start3A_503 = arith.constant 0 : i32
      %dma_start3A_504 = tpu.memref_slice %arg10[%squeeze3A_491, %dma_start3A_503] : memref<32x512xf32, #tpu.memory_space<vmem_shared>> -> memref<1x512xf32, #tpu.memory_space<vmem_shared>>
      %dma_start3A_505 = tpu.memref_squeeze %dma_start3A_504 : memref<1x512xf32, #tpu.memory_space<vmem_shared>> -> memref<512xf32, #tpu.memory_space<vmem_shared>>
      tpu.enqueue_dma source(%dma_start3A_505 : memref<512xf32, #tpu.memory_space<vmem_shared>>) target(%dma_start3A_502 : memref<512xf32, #tpu.memory_space<vmem>>) target_semaphore(%arg12 : memref<!tpu.dma_semaphore, #tpu.memory_space<semaphore_mem>>)
      %slice3A_506 = vector.extract_strided_slice %and3A_73 {offsets = [11], sizes = [1], strides = [1]} : vector<16xi32> to vector<1xi32>
      %squeeze3A_507 = vector.extract %slice3A_506[0] : i32 from vector<1xi32>
      %add3A_508 = arith.constant 11 : i32
      %add3A_509 = arith.addi %mul3A_43, %add3A_508 : i32
      %dma_start3A_510 = arith.constant 512 : i32
      %dma_start3A_511 = tpu.memref_slice %arg8[%add3A_509, %dma_start3A_510] : memref<32x1536xf32, #tpu.memory_space<vmem>> -> memref<1x512xf32, #tpu.memory_space<vmem>>
      %dma_start3A_512 = tpu.memref_squeeze %dma_start3A_511 : memref<1x512xf32, #tpu.memory_space<vmem>> -> memref<512xf32, #tpu.memory_space<vmem>>
      %dma_start3A_513 = arith.constant 0 : i32
      %dma_start3A_514 = tpu.memref_slice %arg10[%squeeze3A_507, %dma_start3A_513] : memref<32x512xf32, #tpu.memory_space<vmem_shared>> -> memref<1x512xf32, #tpu.memory_space<vmem_shared>>
      %dma_start3A_515 = tpu.memref_squeeze %dma_start3A_514 : memref<1x512xf32, #tpu.memory_space<vmem_shared>> -> memref<512xf32, #tpu.memory_space<vmem_shared>>
      %dma_start3A_516 = arith.constant 512 : i32
      %dma_start3A_517 = tpu.memref_slice %arg8[%add3A_509, %dma_start3A_516] : memref<32x1536xf32, #tpu.memory_space<vmem>> -> memref<1x512xf32, #tpu.memory_space<vmem>>
      %dma_start3A_518 = tpu.memref_squeeze %dma_start3A_517 : memref<1x512xf32, #tpu.memory_space<vmem>> -> memref<512xf32, #tpu.memory_space<vmem>>
      %dma_start3A_519 = arith.constant 0 : i32
      %dma_start3A_520 = tpu.memref_slice %arg10[%squeeze3A_507, %dma_start3A_519] : memref<32x512xf32, #tpu.memory_space<vmem_shared>> -> memref<1x512xf32, #tpu.memory_space<vmem_shared>>
      %dma_start3A_521 = tpu.memref_squeeze %dma_start3A_520 : memref<1x512xf32, #tpu.memory_space<vmem_shared>> -> memref<512xf32, #tpu.memory_space<vmem_shared>>
      tpu.enqueue_dma source(%dma_start3A_521 : memref<512xf32, #tpu.memory_space<vmem_shared>>) target(%dma_start3A_518 : memref<512xf32, #tpu.memory_space<vmem>>) target_semaphore(%arg12 : memref<!tpu.dma_semaphore, #tpu.memory_space<semaphore_mem>>)
      %slice3A_522 = vector.extract_strided_slice %and3A_73 {offsets = [12], sizes = [1], strides = [1]} : vector<16xi32> to vector<1xi32>
      %squeeze3A_523 = vector.extract %slice3A_522[0] : i32 from vector<1xi32>
      %add3A_524 = arith.constant 12 : i32
      %add3A_525 = arith.addi %mul3A_43, %add3A_524 : i32
      %dma_start3A_526 = arith.constant 512 : i32
      %dma_start3A_527 = tpu.memref_slice %arg8[%add3A_525, %dma_start3A_526] : memref<32x1536xf32, #tpu.memory_space<vmem>> -> memref<1x512xf32, #tpu.memory_space<vmem>>
      %dma_start3A_528 = tpu.memref_squeeze %dma_start3A_527 : memref<1x512xf32, #tpu.memory_space<vmem>> -> memref<512xf32, #tpu.memory_space<vmem>>
      %dma_start3A_529 = arith.constant 0 : i32
      %dma_start3A_530 = tpu.memref_slice %arg10[%squeeze3A_523, %dma_start3A_529] : memref<32x512xf32, #tpu.memory_space<vmem_shared>> -> memref<1x512xf32, #tpu.memory_space<vmem_shared>>
      %dma_start3A_531 = tpu.memref_squeeze %dma_start3A_530 : memref<1x512xf32, #tpu.memory_space<vmem_shared>> -> memref<512xf32, #tpu.memory_space<vmem_shared>>
      %dma_start3A_532 = arith.constant 512 : i32
      %dma_start3A_533 = tpu.memref_slice %arg8[%add3A_525, %dma_start3A_532] : memref<32x1536xf32, #tpu.memory_space<vmem>> -> memref<1x512xf32, #tpu.memory_space<vmem>>
      %dma_start3A_534 = tpu.memref_squeeze %dma_start3A_533 : memref<1x512xf32, #tpu.memory_space<vmem>> -> memref<512xf32, #tpu.memory_space<vmem>>
      %dma_start3A_535 = arith.constant 0 : i32
      %dma_start3A_536 = tpu.memref_slice %arg10[%squeeze3A_523, %dma_start3A_535] : memref<32x512xf32, #tpu.memory_space<vmem_shared>> -> memref<1x512xf32, #tpu.memory_space<vmem_shared>>
      %dma_start3A_537 = tpu.memref_squeeze %dma_start3A_536 : memref<1x512xf32, #tpu.memory_space<vmem_shared>> -> memref<512xf32, #tpu.memory_space<vmem_shared>>
      tpu.enqueue_dma source(%dma_start3A_537 : memref<512xf32, #tpu.memory_space<vmem_shared>>) target(%dma_start3A_534 : memref<512xf32, #tpu.memory_space<vmem>>) target_semaphore(%arg12 : memref<!tpu.dma_semaphore, #tpu.memory_space<semaphore_mem>>)
      %slice3A_538 = vector.extract_strided_slice %and3A_73 {offsets = [13], sizes = [1], strides = [1]} : vector<16xi32> to vector<1xi32>
      %squeeze3A_539 = vector.extract %slice3A_538[0] : i32 from vector<1xi32>
      %add3A_540 = arith.constant 13 : i32
      %add3A_541 = arith.addi %mul3A_43, %add3A_540 : i32
      %dma_start3A_542 = arith.constant 512 : i32
      %dma_start3A_543 = tpu.memref_slice %arg8[%add3A_541, %dma_start3A_542] : memref<32x1536xf32, #tpu.memory_space<vmem>> -> memref<1x512xf32, #tpu.memory_space<vmem>>
      %dma_start3A_544 = tpu.memref_squeeze %dma_start3A_543 : memref<1x512xf32, #tpu.memory_space<vmem>> -> memref<512xf32, #tpu.memory_space<vmem>>
      %dma_start3A_545 = arith.constant 0 : i32
      %dma_start3A_546 = tpu.memref_slice %arg10[%squeeze3A_539, %dma_start3A_545] : memref<32x512xf32, #tpu.memory_space<vmem_shared>> -> memref<1x512xf32, #tpu.memory_space<vmem_shared>>
      %dma_start3A_547 = tpu.memref_squeeze %dma_start3A_546 : memref<1x512xf32, #tpu.memory_space<vmem_shared>> -> memref<512xf32, #tpu.memory_space<vmem_shared>>
      %dma_start3A_548 = arith.constant 512 : i32
      %dma_start3A_549 = tpu.memref_slice %arg8[%add3A_541, %dma_start3A_548] : memref<32x1536xf32, #tpu.memory_space<vmem>> -> memref<1x512xf32, #tpu.memory_space<vmem>>
      %dma_start3A_550 = tpu.memref_squeeze %dma_start3A_549 : memref<1x512xf32, #tpu.memory_space<vmem>> -> memref<512xf32, #tpu.memory_space<vmem>>
      %dma_start3A_551 = arith.constant 0 : i32
      %dma_start3A_552 = tpu.memref_slice %arg10[%squeeze3A_539, %dma_start3A_551] : memref<32x512xf32, #tpu.memory_space<vmem_shared>> -> memref<1x512xf32, #tpu.memory_space<vmem_shared>>
      %dma_start3A_553 = tpu.memref_squeeze %dma_start3A_552 : memref<1x512xf32, #tpu.memory_space<vmem_shared>> -> memref<512xf32, #tpu.memory_space<vmem_shared>>
      tpu.enqueue_dma source(%dma_start3A_553 : memref<512xf32, #tpu.memory_space<vmem_shared>>) target(%dma_start3A_550 : memref<512xf32, #tpu.memory_space<vmem>>) target_semaphore(%arg12 : memref<!tpu.dma_semaphore, #tpu.memory_space<semaphore_mem>>)
      %slice3A_554 = vector.extract_strided_slice %and3A_73 {offsets = [14], sizes = [1], strides = [1]} : vector<16xi32> to vector<1xi32>
      %squeeze3A_555 = vector.extract %slice3A_554[0] : i32 from vector<1xi32>
      %add3A_556 = arith.constant 14 : i32
      %add3A_557 = arith.addi %mul3A_43, %add3A_556 : i32
      %dma_start3A_558 = arith.constant 512 : i32
      %dma_start3A_559 = tpu.memref_slice %arg8[%add3A_557, %dma_start3A_558] : memref<32x1536xf32, #tpu.memory_space<vmem>> -> memref<1x512xf32, #tpu.memory_space<vmem>>
      %dma_start3A_560 = tpu.memref_squeeze %dma_start3A_559 : memref<1x512xf32, #tpu.memory_space<vmem>> -> memref<512xf32, #tpu.memory_space<vmem>>
      %dma_start3A_561 = arith.constant 0 : i32
      %dma_start3A_562 = tpu.memref_slice %arg10[%squeeze3A_555, %dma_start3A_561] : memref<32x512xf32, #tpu.memory_space<vmem_shared>> -> memref<1x512xf32, #tpu.memory_space<vmem_shared>>
      %dma_start3A_563 = tpu.memref_squeeze %dma_start3A_562 : memref<1x512xf32, #tpu.memory_space<vmem_shared>> -> memref<512xf32, #tpu.memory_space<vmem_shared>>
      %dma_start3A_564 = arith.constant 512 : i32
      %dma_start3A_565 = tpu.memref_slice %arg8[%add3A_557, %dma_start3A_564] : memref<32x1536xf32, #tpu.memory_space<vmem>> -> memref<1x512xf32, #tpu.memory_space<vmem>>
      %dma_start3A_566 = tpu.memref_squeeze %dma_start3A_565 : memref<1x512xf32, #tpu.memory_space<vmem>> -> memref<512xf32, #tpu.memory_space<vmem>>
      %dma_start3A_567 = arith.constant 0 : i32
      %dma_start3A_568 = tpu.memref_slice %arg10[%squeeze3A_555, %dma_start3A_567] : memref<32x512xf32, #tpu.memory_space<vmem_shared>> -> memref<1x512xf32, #tpu.memory_space<vmem_shared>>
      %dma_start3A_569 = tpu.memref_squeeze %dma_start3A_568 : memref<1x512xf32, #tpu.memory_space<vmem_shared>> -> memref<512xf32, #tpu.memory_space<vmem_shared>>
      tpu.enqueue_dma source(%dma_start3A_569 : memref<512xf32, #tpu.memory_space<vmem_shared>>) target(%dma_start3A_566 : memref<512xf32, #tpu.memory_space<vmem>>) target_semaphore(%arg12 : memref<!tpu.dma_semaphore, #tpu.memory_space<semaphore_mem>>)
      %slice3A_570 = vector.extract_strided_slice %and3A_73 {offsets = [15], sizes = [1], strides = [1]} : vector<16xi32> to vector<1xi32>
      %squeeze3A_571 = vector.extract %slice3A_570[0] : i32 from vector<1xi32>
      %add3A_572 = arith.constant 15 : i32
      %add3A_573 = arith.addi %mul3A_43, %add3A_572 : i32
      %dma_start3A_574 = arith.constant 512 : i32
      %dma_start3A_575 = tpu.memref_slice %arg8[%add3A_573, %dma_start3A_574] : memref<32x1536xf32, #tpu.memory_space<vmem>> -> memref<1x512xf32, #tpu.memory_space<vmem>>
      %dma_start3A_576 = tpu.memref_squeeze %dma_start3A_575 : memref<1x512xf32, #tpu.memory_space<vmem>> -> memref<512xf32, #tpu.memory_space<vmem>>
      %dma_start3A_577 = arith.constant 0 : i32
      %dma_start3A_578 = tpu.memref_slice %arg10[%squeeze3A_571, %dma_start3A_577] : memref<32x512xf32, #tpu.memory_space<vmem_shared>> -> memref<1x512xf32, #tpu.memory_space<vmem_shared>>
      %dma_start3A_579 = tpu.memref_squeeze %dma_start3A_578 : memref<1x512xf32, #tpu.memory_space<vmem_shared>> -> memref<512xf32, #tpu.memory_space<vmem_shared>>
      %dma_start3A_580 = arith.constant 512 : i32
      %dma_start3A_581 = tpu.memref_slice %arg8[%add3A_573, %dma_start3A_580] : memref<32x1536xf32, #tpu.memory_space<vmem>> -> memref<1x512xf32, #tpu.memory_space<vmem>>
      %dma_start3A_582 = tpu.memref_squeeze %dma_start3A_581 : memref<1x512xf32, #tpu.memory_space<vmem>> -> memref<512xf32, #tpu.memory_space<vmem>>
      %dma_start3A_583 = arith.constant 0 : i32
      %dma_start3A_584 = tpu.memref_slice %arg10[%squeeze3A_571, %dma_start3A_583] : memref<32x512xf32, #tpu.memory_space<vmem_shared>> -> memref<1x512xf32, #tpu.memory_space<vmem_shared>>
      %dma_start3A_585 = tpu.memref_squeeze %dma_start3A_584 : memref<1x512xf32, #tpu.memory_space<vmem_shared>> -> memref<512xf32, #tpu.memory_space<vmem_shared>>
      tpu.enqueue_dma source(%dma_start3A_585 : memref<512xf32, #tpu.memory_space<vmem_shared>>) target(%dma_start3A_582 : memref<512xf32, #tpu.memory_space<vmem>>) target_semaphore(%arg12 : memref<!tpu.dma_semaphore, #tpu.memory_space<semaphore_mem>>)
      %slice3A_586 = vector.extract_strided_slice %and3A_76 {offsets = [0], sizes = [1], strides = [1]} : vector<16xi32> to vector<1xi32>
      %squeeze3A_587 = vector.extract %slice3A_586[0] : i32 from vector<1xi32>
      %add3A_588 = arith.constant 0 : i32
      %add3A_589 = arith.addi %mul3A_43, %add3A_588 : i32
      %dma_start3A_590 = arith.constant 1024 : i32
      %dma_start3A_591 = tpu.memref_slice %arg8[%add3A_589, %dma_start3A_590] : memref<32x1536xf32, #tpu.memory_space<vmem>> -> memref<1x512xf32, #tpu.memory_space<vmem>>
      %dma_start3A_592 = tpu.memref_squeeze %dma_start3A_591 : memref<1x512xf32, #tpu.memory_space<vmem>> -> memref<512xf32, #tpu.memory_space<vmem>>
      %dma_start3A_593 = arith.constant 0 : i32
      %dma_start3A_594 = tpu.memref_slice %arg11[%squeeze3A_587, %dma_start3A_593] : memref<32x512xf32, #tpu.memory_space<vmem_shared>> -> memref<1x512xf32, #tpu.memory_space<vmem_shared>>
      %dma_start3A_595 = tpu.memref_squeeze %dma_start3A_594 : memref<1x512xf32, #tpu.memory_space<vmem_shared>> -> memref<512xf32, #tpu.memory_space<vmem_shared>>
      %dma_start3A_596 = arith.constant 1024 : i32
      %dma_start3A_597 = tpu.memref_slice %arg8[%add3A_589, %dma_start3A_596] : memref<32x1536xf32, #tpu.memory_space<vmem>> -> memref<1x512xf32, #tpu.memory_space<vmem>>
      %dma_start3A_598 = tpu.memref_squeeze %dma_start3A_597 : memref<1x512xf32, #tpu.memory_space<vmem>> -> memref<512xf32, #tpu.memory_space<vmem>>
      %dma_start3A_599 = arith.constant 0 : i32
      %dma_start3A_600 = tpu.memref_slice %arg11[%squeeze3A_587, %dma_start3A_599] : memref<32x512xf32, #tpu.memory_space<vmem_shared>> -> memref<1x512xf32, #tpu.memory_space<vmem_shared>>
      %dma_start3A_601 = tpu.memref_squeeze %dma_start3A_600 : memref<1x512xf32, #tpu.memory_space<vmem_shared>> -> memref<512xf32, #tpu.memory_space<vmem_shared>>
      tpu.enqueue_dma source(%dma_start3A_601 : memref<512xf32, #tpu.memory_space<vmem_shared>>) target(%dma_start3A_598 : memref<512xf32, #tpu.memory_space<vmem>>) target_semaphore(%arg12 : memref<!tpu.dma_semaphore, #tpu.memory_space<semaphore_mem>>)
      %slice3A_602 = vector.extract_strided_slice %and3A_76 {offsets = [1], sizes = [1], strides = [1]} : vector<16xi32> to vector<1xi32>
      %squeeze3A_603 = vector.extract %slice3A_602[0] : i32 from vector<1xi32>
      %add3A_604 = arith.constant 1 : i32
      %add3A_605 = arith.addi %mul3A_43, %add3A_604 : i32
      %dma_start3A_606 = arith.constant 1024 : i32
      %dma_start3A_607 = tpu.memref_slice %arg8[%add3A_605, %dma_start3A_606] : memref<32x1536xf32, #tpu.memory_space<vmem>> -> memref<1x512xf32, #tpu.memory_space<vmem>>
      %dma_start3A_608 = tpu.memref_squeeze %dma_start3A_607 : memref<1x512xf32, #tpu.memory_space<vmem>> -> memref<512xf32, #tpu.memory_space<vmem>>
      %dma_start3A_609 = arith.constant 0 : i32
      %dma_start3A_610 = tpu.memref_slice %arg11[%squeeze3A_603, %dma_start3A_609] : memref<32x512xf32, #tpu.memory_space<vmem_shared>> -> memref<1x512xf32, #tpu.memory_space<vmem_shared>>
      %dma_start3A_611 = tpu.memref_squeeze %dma_start3A_610 : memref<1x512xf32, #tpu.memory_space<vmem_shared>> -> memref<512xf32, #tpu.memory_space<vmem_shared>>
      %dma_start3A_612 = arith.constant 1024 : i32
      %dma_start3A_613 = tpu.memref_slice %arg8[%add3A_605, %dma_start3A_612] : memref<32x1536xf32, #tpu.memory_space<vmem>> -> memref<1x512xf32, #tpu.memory_space<vmem>>
      %dma_start3A_614 = tpu.memref_squeeze %dma_start3A_613 : memref<1x512xf32, #tpu.memory_space<vmem>> -> memref<512xf32, #tpu.memory_space<vmem>>
      %dma_start3A_615 = arith.constant 0 : i32
      %dma_start3A_616 = tpu.memref_slice %arg11[%squeeze3A_603, %dma_start3A_615] : memref<32x512xf32, #tpu.memory_space<vmem_shared>> -> memref<1x512xf32, #tpu.memory_space<vmem_shared>>
      %dma_start3A_617 = tpu.memref_squeeze %dma_start3A_616 : memref<1x512xf32, #tpu.memory_space<vmem_shared>> -> memref<512xf32, #tpu.memory_space<vmem_shared>>
      tpu.enqueue_dma source(%dma_start3A_617 : memref<512xf32, #tpu.memory_space<vmem_shared>>) target(%dma_start3A_614 : memref<512xf32, #tpu.memory_space<vmem>>) target_semaphore(%arg12 : memref<!tpu.dma_semaphore, #tpu.memory_space<semaphore_mem>>)
      %slice3A_618 = vector.extract_strided_slice %and3A_76 {offsets = [2], sizes = [1], strides = [1]} : vector<16xi32> to vector<1xi32>
      %squeeze3A_619 = vector.extract %slice3A_618[0] : i32 from vector<1xi32>
      %add3A_620 = arith.constant 2 : i32
      %add3A_621 = arith.addi %mul3A_43, %add3A_620 : i32
      %dma_start3A_622 = arith.constant 1024 : i32
      %dma_start3A_623 = tpu.memref_slice %arg8[%add3A_621, %dma_start3A_622] : memref<32x1536xf32, #tpu.memory_space<vmem>> -> memref<1x512xf32, #tpu.memory_space<vmem>>
      %dma_start3A_624 = tpu.memref_squeeze %dma_start3A_623 : memref<1x512xf32, #tpu.memory_space<vmem>> -> memref<512xf32, #tpu.memory_space<vmem>>
      %dma_start3A_625 = arith.constant 0 : i32
      %dma_start3A_626 = tpu.memref_slice %arg11[%squeeze3A_619, %dma_start3A_625] : memref<32x512xf32, #tpu.memory_space<vmem_shared>> -> memref<1x512xf32, #tpu.memory_space<vmem_shared>>
      %dma_start3A_627 = tpu.memref_squeeze %dma_start3A_626 : memref<1x512xf32, #tpu.memory_space<vmem_shared>> -> memref<512xf32, #tpu.memory_space<vmem_shared>>
      %dma_start3A_628 = arith.constant 1024 : i32
      %dma_start3A_629 = tpu.memref_slice %arg8[%add3A_621, %dma_start3A_628] : memref<32x1536xf32, #tpu.memory_space<vmem>> -> memref<1x512xf32, #tpu.memory_space<vmem>>
      %dma_start3A_630 = tpu.memref_squeeze %dma_start3A_629 : memref<1x512xf32, #tpu.memory_space<vmem>> -> memref<512xf32, #tpu.memory_space<vmem>>
      %dma_start3A_631 = arith.constant 0 : i32
      %dma_start3A_632 = tpu.memref_slice %arg11[%squeeze3A_619, %dma_start3A_631] : memref<32x512xf32, #tpu.memory_space<vmem_shared>> -> memref<1x512xf32, #tpu.memory_space<vmem_shared>>
      %dma_start3A_633 = tpu.memref_squeeze %dma_start3A_632 : memref<1x512xf32, #tpu.memory_space<vmem_shared>> -> memref<512xf32, #tpu.memory_space<vmem_shared>>
      tpu.enqueue_dma source(%dma_start3A_633 : memref<512xf32, #tpu.memory_space<vmem_shared>>) target(%dma_start3A_630 : memref<512xf32, #tpu.memory_space<vmem>>) target_semaphore(%arg12 : memref<!tpu.dma_semaphore, #tpu.memory_space<semaphore_mem>>)
      %slice3A_634 = vector.extract_strided_slice %and3A_76 {offsets = [3], sizes = [1], strides = [1]} : vector<16xi32> to vector<1xi32>
      %squeeze3A_635 = vector.extract %slice3A_634[0] : i32 from vector<1xi32>
      %add3A_636 = arith.constant 3 : i32
      %add3A_637 = arith.addi %mul3A_43, %add3A_636 : i32
      %dma_start3A_638 = arith.constant 1024 : i32
      %dma_start3A_639 = tpu.memref_slice %arg8[%add3A_637, %dma_start3A_638] : memref<32x1536xf32, #tpu.memory_space<vmem>> -> memref<1x512xf32, #tpu.memory_space<vmem>>
      %dma_start3A_640 = tpu.memref_squeeze %dma_start3A_639 : memref<1x512xf32, #tpu.memory_space<vmem>> -> memref<512xf32, #tpu.memory_space<vmem>>
      %dma_start3A_641 = arith.constant 0 : i32
      %dma_start3A_642 = tpu.memref_slice %arg11[%squeeze3A_635, %dma_start3A_641] : memref<32x512xf32, #tpu.memory_space<vmem_shared>> -> memref<1x512xf32, #tpu.memory_space<vmem_shared>>
      %dma_start3A_643 = tpu.memref_squeeze %dma_start3A_642 : memref<1x512xf32, #tpu.memory_space<vmem_shared>> -> memref<512xf32, #tpu.memory_space<vmem_shared>>
      %dma_start3A_644 = arith.constant 1024 : i32
      %dma_start3A_645 = tpu.memref_slice %arg8[%add3A_637, %dma_start3A_644] : memref<32x1536xf32, #tpu.memory_space<vmem>> -> memref<1x512xf32, #tpu.memory_space<vmem>>
      %dma_start3A_646 = tpu.memref_squeeze %dma_start3A_645 : memref<1x512xf32, #tpu.memory_space<vmem>> -> memref<512xf32, #tpu.memory_space<vmem>>
      %dma_start3A_647 = arith.constant 0 : i32
      %dma_start3A_648 = tpu.memref_slice %arg11[%squeeze3A_635, %dma_start3A_647] : memref<32x512xf32, #tpu.memory_space<vmem_shared>> -> memref<1x512xf32, #tpu.memory_space<vmem_shared>>
      %dma_start3A_649 = tpu.memref_squeeze %dma_start3A_648 : memref<1x512xf32, #tpu.memory_space<vmem_shared>> -> memref<512xf32, #tpu.memory_space<vmem_shared>>
      tpu.enqueue_dma source(%dma_start3A_649 : memref<512xf32, #tpu.memory_space<vmem_shared>>) target(%dma_start3A_646 : memref<512xf32, #tpu.memory_space<vmem>>) target_semaphore(%arg12 : memref<!tpu.dma_semaphore, #tpu.memory_space<semaphore_mem>>)
      %slice3A_650 = vector.extract_strided_slice %and3A_76 {offsets = [4], sizes = [1], strides = [1]} : vector<16xi32> to vector<1xi32>
      %squeeze3A_651 = vector.extract %slice3A_650[0] : i32 from vector<1xi32>
      %add3A_652 = arith.constant 4 : i32
      %add3A_653 = arith.addi %mul3A_43, %add3A_652 : i32
      %dma_start3A_654 = arith.constant 1024 : i32
      %dma_start3A_655 = tpu.memref_slice %arg8[%add3A_653, %dma_start3A_654] : memref<32x1536xf32, #tpu.memory_space<vmem>> -> memref<1x512xf32, #tpu.memory_space<vmem>>
      %dma_start3A_656 = tpu.memref_squeeze %dma_start3A_655 : memref<1x512xf32, #tpu.memory_space<vmem>> -> memref<512xf32, #tpu.memory_space<vmem>>
      %dma_start3A_657 = arith.constant 0 : i32
      %dma_start3A_658 = tpu.memref_slice %arg11[%squeeze3A_651, %dma_start3A_657] : memref<32x512xf32, #tpu.memory_space<vmem_shared>> -> memref<1x512xf32, #tpu.memory_space<vmem_shared>>
      %dma_start3A_659 = tpu.memref_squeeze %dma_start3A_658 : memref<1x512xf32, #tpu.memory_space<vmem_shared>> -> memref<512xf32, #tpu.memory_space<vmem_shared>>
      %dma_start3A_660 = arith.constant 1024 : i32
      %dma_start3A_661 = tpu.memref_slice %arg8[%add3A_653, %dma_start3A_660] : memref<32x1536xf32, #tpu.memory_space<vmem>> -> memref<1x512xf32, #tpu.memory_space<vmem>>
      %dma_start3A_662 = tpu.memref_squeeze %dma_start3A_661 : memref<1x512xf32, #tpu.memory_space<vmem>> -> memref<512xf32, #tpu.memory_space<vmem>>
      %dma_start3A_663 = arith.constant 0 : i32
      %dma_start3A_664 = tpu.memref_slice %arg11[%squeeze3A_651, %dma_start3A_663] : memref<32x512xf32, #tpu.memory_space<vmem_shared>> -> memref<1x512xf32, #tpu.memory_space<vmem_shared>>
      %dma_start3A_665 = tpu.memref_squeeze %dma_start3A_664 : memref<1x512xf32, #tpu.memory_space<vmem_shared>> -> memref<512xf32, #tpu.memory_space<vmem_shared>>
      tpu.enqueue_dma source(%dma_start3A_665 : memref<512xf32, #tpu.memory_space<vmem_shared>>) target(%dma_start3A_662 : memref<512xf32, #tpu.memory_space<vmem>>) target_semaphore(%arg12 : memref<!tpu.dma_semaphore, #tpu.memory_space<semaphore_mem>>)
      %slice3A_666 = vector.extract_strided_slice %and3A_76 {offsets = [5], sizes = [1], strides = [1]} : vector<16xi32> to vector<1xi32>
      %squeeze3A_667 = vector.extract %slice3A_666[0] : i32 from vector<1xi32>
      %add3A_668 = arith.constant 5 : i32
      %add3A_669 = arith.addi %mul3A_43, %add3A_668 : i32
      %dma_start3A_670 = arith.constant 1024 : i32
      %dma_start3A_671 = tpu.memref_slice %arg8[%add3A_669, %dma_start3A_670] : memref<32x1536xf32, #tpu.memory_space<vmem>> -> memref<1x512xf32, #tpu.memory_space<vmem>>
      %dma_start3A_672 = tpu.memref_squeeze %dma_start3A_671 : memref<1x512xf32, #tpu.memory_space<vmem>> -> memref<512xf32, #tpu.memory_space<vmem>>
      %dma_start3A_673 = arith.constant 0 : i32
      %dma_start3A_674 = tpu.memref_slice %arg11[%squeeze3A_667, %dma_start3A_673] : memref<32x512xf32, #tpu.memory_space<vmem_shared>> -> memref<1x512xf32, #tpu.memory_space<vmem_shared>>
      %dma_start3A_675 = tpu.memref_squeeze %dma_start3A_674 : memref<1x512xf32, #tpu.memory_space<vmem_shared>> -> memref<512xf32, #tpu.memory_space<vmem_shared>>
      %dma_start3A_676 = arith.constant 1024 : i32
      %dma_start3A_677 = tpu.memref_slice %arg8[%add3A_669, %dma_start3A_676] : memref<32x1536xf32, #tpu.memory_space<vmem>> -> memref<1x512xf32, #tpu.memory_space<vmem>>
      %dma_start3A_678 = tpu.memref_squeeze %dma_start3A_677 : memref<1x512xf32, #tpu.memory_space<vmem>> -> memref<512xf32, #tpu.memory_space<vmem>>
      %dma_start3A_679 = arith.constant 0 : i32
      %dma_start3A_680 = tpu.memref_slice %arg11[%squeeze3A_667, %dma_start3A_679] : memref<32x512xf32, #tpu.memory_space<vmem_shared>> -> memref<1x512xf32, #tpu.memory_space<vmem_shared>>
      %dma_start3A_681 = tpu.memref_squeeze %dma_start3A_680 : memref<1x512xf32, #tpu.memory_space<vmem_shared>> -> memref<512xf32, #tpu.memory_space<vmem_shared>>
      tpu.enqueue_dma source(%dma_start3A_681 : memref<512xf32, #tpu.memory_space<vmem_shared>>) target(%dma_start3A_678 : memref<512xf32, #tpu.memory_space<vmem>>) target_semaphore(%arg12 : memref<!tpu.dma_semaphore, #tpu.memory_space<semaphore_mem>>)
      %slice3A_682 = vector.extract_strided_slice %and3A_76 {offsets = [6], sizes = [1], strides = [1]} : vector<16xi32> to vector<1xi32>
      %squeeze3A_683 = vector.extract %slice3A_682[0] : i32 from vector<1xi32>
      %add3A_684 = arith.constant 6 : i32
      %add3A_685 = arith.addi %mul3A_43, %add3A_684 : i32
      %dma_start3A_686 = arith.constant 1024 : i32
      %dma_start3A_687 = tpu.memref_slice %arg8[%add3A_685, %dma_start3A_686] : memref<32x1536xf32, #tpu.memory_space<vmem>> -> memref<1x512xf32, #tpu.memory_space<vmem>>
      %dma_start3A_688 = tpu.memref_squeeze %dma_start3A_687 : memref<1x512xf32, #tpu.memory_space<vmem>> -> memref<512xf32, #tpu.memory_space<vmem>>
      %dma_start3A_689 = arith.constant 0 : i32
      %dma_start3A_690 = tpu.memref_slice %arg11[%squeeze3A_683, %dma_start3A_689] : memref<32x512xf32, #tpu.memory_space<vmem_shared>> -> memref<1x512xf32, #tpu.memory_space<vmem_shared>>
      %dma_start3A_691 = tpu.memref_squeeze %dma_start3A_690 : memref<1x512xf32, #tpu.memory_space<vmem_shared>> -> memref<512xf32, #tpu.memory_space<vmem_shared>>
      %dma_start3A_692 = arith.constant 1024 : i32
      %dma_start3A_693 = tpu.memref_slice %arg8[%add3A_685, %dma_start3A_692] : memref<32x1536xf32, #tpu.memory_space<vmem>> -> memref<1x512xf32, #tpu.memory_space<vmem>>
      %dma_start3A_694 = tpu.memref_squeeze %dma_start3A_693 : memref<1x512xf32, #tpu.memory_space<vmem>> -> memref<512xf32, #tpu.memory_space<vmem>>
      %dma_start3A_695 = arith.constant 0 : i32
      %dma_start3A_696 = tpu.memref_slice %arg11[%squeeze3A_683, %dma_start3A_695] : memref<32x512xf32, #tpu.memory_space<vmem_shared>> -> memref<1x512xf32, #tpu.memory_space<vmem_shared>>
      %dma_start3A_697 = tpu.memref_squeeze %dma_start3A_696 : memref<1x512xf32, #tpu.memory_space<vmem_shared>> -> memref<512xf32, #tpu.memory_space<vmem_shared>>
      tpu.enqueue_dma source(%dma_start3A_697 : memref<512xf32, #tpu.memory_space<vmem_shared>>) target(%dma_start3A_694 : memref<512xf32, #tpu.memory_space<vmem>>) target_semaphore(%arg12 : memref<!tpu.dma_semaphore, #tpu.memory_space<semaphore_mem>>)
      %slice3A_698 = vector.extract_strided_slice %and3A_76 {offsets = [7], sizes = [1], strides = [1]} : vector<16xi32> to vector<1xi32>
      %squeeze3A_699 = vector.extract %slice3A_698[0] : i32 from vector<1xi32>
      %add3A_700 = arith.constant 7 : i32
      %add3A_701 = arith.addi %mul3A_43, %add3A_700 : i32
      %dma_start3A_702 = arith.constant 1024 : i32
      %dma_start3A_703 = tpu.memref_slice %arg8[%add3A_701, %dma_start3A_702] : memref<32x1536xf32, #tpu.memory_space<vmem>> -> memref<1x512xf32, #tpu.memory_space<vmem>>
      %dma_start3A_704 = tpu.memref_squeeze %dma_start3A_703 : memref<1x512xf32, #tpu.memory_space<vmem>> -> memref<512xf32, #tpu.memory_space<vmem>>
      %dma_start3A_705 = arith.constant 0 : i32
      %dma_start3A_706 = tpu.memref_slice %arg11[%squeeze3A_699, %dma_start3A_705] : memref<32x512xf32, #tpu.memory_space<vmem_shared>> -> memref<1x512xf32, #tpu.memory_space<vmem_shared>>
      %dma_start3A_707 = tpu.memref_squeeze %dma_start3A_706 : memref<1x512xf32, #tpu.memory_space<vmem_shared>> -> memref<512xf32, #tpu.memory_space<vmem_shared>>
      %dma_start3A_708 = arith.constant 1024 : i32
      %dma_start3A_709 = tpu.memref_slice %arg8[%add3A_701, %dma_start3A_708] : memref<32x1536xf32, #tpu.memory_space<vmem>> -> memref<1x512xf32, #tpu.memory_space<vmem>>
      %dma_start3A_710 = tpu.memref_squeeze %dma_start3A_709 : memref<1x512xf32, #tpu.memory_space<vmem>> -> memref<512xf32, #tpu.memory_space<vmem>>
      %dma_start3A_711 = arith.constant 0 : i32
      %dma_start3A_712 = tpu.memref_slice %arg11[%squeeze3A_699, %dma_start3A_711] : memref<32x512xf32, #tpu.memory_space<vmem_shared>> -> memref<1x512xf32, #tpu.memory_space<vmem_shared>>
      %dma_start3A_713 = tpu.memref_squeeze %dma_start3A_712 : memref<1x512xf32, #tpu.memory_space<vmem_shared>> -> memref<512xf32, #tpu.memory_space<vmem_shared>>
      tpu.enqueue_dma source(%dma_start3A_713 : memref<512xf32, #tpu.memory_space<vmem_shared>>) target(%dma_start3A_710 : memref<512xf32, #tpu.memory_space<vmem>>) target_semaphore(%arg12 : memref<!tpu.dma_semaphore, #tpu.memory_space<semaphore_mem>>)
      %slice3A_714 = vector.extract_strided_slice %and3A_76 {offsets = [8], sizes = [1], strides = [1]} : vector<16xi32> to vector<1xi32>
      %squeeze3A_715 = vector.extract %slice3A_714[0] : i32 from vector<1xi32>
      %add3A_716 = arith.constant 8 : i32
      %add3A_717 = arith.addi %mul3A_43, %add3A_716 : i32
      %dma_start3A_718 = arith.constant 1024 : i32
      %dma_start3A_719 = tpu.memref_slice %arg8[%add3A_717, %dma_start3A_718] : memref<32x1536xf32, #tpu.memory_space<vmem>> -> memref<1x512xf32, #tpu.memory_space<vmem>>
      %dma_start3A_720 = tpu.memref_squeeze %dma_start3A_719 : memref<1x512xf32, #tpu.memory_space<vmem>> -> memref<512xf32, #tpu.memory_space<vmem>>
      %dma_start3A_721 = arith.constant 0 : i32
      %dma_start3A_722 = tpu.memref_slice %arg11[%squeeze3A_715, %dma_start3A_721] : memref<32x512xf32, #tpu.memory_space<vmem_shared>> -> memref<1x512xf32, #tpu.memory_space<vmem_shared>>
      %dma_start3A_723 = tpu.memref_squeeze %dma_start3A_722 : memref<1x512xf32, #tpu.memory_space<vmem_shared>> -> memref<512xf32, #tpu.memory_space<vmem_shared>>
      %dma_start3A_724 = arith.constant 1024 : i32
      %dma_start3A_725 = tpu.memref_slice %arg8[%add3A_717, %dma_start3A_724] : memref<32x1536xf32, #tpu.memory_space<vmem>> -> memref<1x512xf32, #tpu.memory_space<vmem>>
      %dma_start3A_726 = tpu.memref_squeeze %dma_start3A_725 : memref<1x512xf32, #tpu.memory_space<vmem>> -> memref<512xf32, #tpu.memory_space<vmem>>
      %dma_start3A_727 = arith.constant 0 : i32
      %dma_start3A_728 = tpu.memref_slice %arg11[%squeeze3A_715, %dma_start3A_727] : memref<32x512xf32, #tpu.memory_space<vmem_shared>> -> memref<1x512xf32, #tpu.memory_space<vmem_shared>>
      %dma_start3A_729 = tpu.memref_squeeze %dma_start3A_728 : memref<1x512xf32, #tpu.memory_space<vmem_shared>> -> memref<512xf32, #tpu.memory_space<vmem_shared>>
      tpu.enqueue_dma source(%dma_start3A_729 : memref<512xf32, #tpu.memory_space<vmem_shared>>) target(%dma_start3A_726 : memref<512xf32, #tpu.memory_space<vmem>>) target_semaphore(%arg12 : memref<!tpu.dma_semaphore, #tpu.memory_space<semaphore_mem>>)
      %slice3A_730 = vector.extract_strided_slice %and3A_76 {offsets = [9], sizes = [1], strides = [1]} : vector<16xi32> to vector<1xi32>
      %squeeze3A_731 = vector.extract %slice3A_730[0] : i32 from vector<1xi32>
      %add3A_732 = arith.constant 9 : i32
      %add3A_733 = arith.addi %mul3A_43, %add3A_732 : i32
      %dma_start3A_734 = arith.constant 1024 : i32
      %dma_start3A_735 = tpu.memref_slice %arg8[%add3A_733, %dma_start3A_734] : memref<32x1536xf32, #tpu.memory_space<vmem>> -> memref<1x512xf32, #tpu.memory_space<vmem>>
      %dma_start3A_736 = tpu.memref_squeeze %dma_start3A_735 : memref<1x512xf32, #tpu.memory_space<vmem>> -> memref<512xf32, #tpu.memory_space<vmem>>
      %dma_start3A_737 = arith.constant 0 : i32
      %dma_start3A_738 = tpu.memref_slice %arg11[%squeeze3A_731, %dma_start3A_737] : memref<32x512xf32, #tpu.memory_space<vmem_shared>> -> memref<1x512xf32, #tpu.memory_space<vmem_shared>>
      %dma_start3A_739 = tpu.memref_squeeze %dma_start3A_738 : memref<1x512xf32, #tpu.memory_space<vmem_shared>> -> memref<512xf32, #tpu.memory_space<vmem_shared>>
      %dma_start3A_740 = arith.constant 1024 : i32
      %dma_start3A_741 = tpu.memref_slice %arg8[%add3A_733, %dma_start3A_740] : memref<32x1536xf32, #tpu.memory_space<vmem>> -> memref<1x512xf32, #tpu.memory_space<vmem>>
      %dma_start3A_742 = tpu.memref_squeeze %dma_start3A_741 : memref<1x512xf32, #tpu.memory_space<vmem>> -> memref<512xf32, #tpu.memory_space<vmem>>
      %dma_start3A_743 = arith.constant 0 : i32
      %dma_start3A_744 = tpu.memref_slice %arg11[%squeeze3A_731, %dma_start3A_743] : memref<32x512xf32, #tpu.memory_space<vmem_shared>> -> memref<1x512xf32, #tpu.memory_space<vmem_shared>>
      %dma_start3A_745 = tpu.memref_squeeze %dma_start3A_744 : memref<1x512xf32, #tpu.memory_space<vmem_shared>> -> memref<512xf32, #tpu.memory_space<vmem_shared>>
      tpu.enqueue_dma source(%dma_start3A_745 : memref<512xf32, #tpu.memory_space<vmem_shared>>) target(%dma_start3A_742 : memref<512xf32, #tpu.memory_space<vmem>>) target_semaphore(%arg12 : memref<!tpu.dma_semaphore, #tpu.memory_space<semaphore_mem>>)
      %slice3A_746 = vector.extract_strided_slice %and3A_76 {offsets = [10], sizes = [1], strides = [1]} : vector<16xi32> to vector<1xi32>
      %squeeze3A_747 = vector.extract %slice3A_746[0] : i32 from vector<1xi32>
      %add3A_748 = arith.constant 10 : i32
      %add3A_749 = arith.addi %mul3A_43, %add3A_748 : i32
      %dma_start3A_750 = arith.constant 1024 : i32
      %dma_start3A_751 = tpu.memref_slice %arg8[%add3A_749, %dma_start3A_750] : memref<32x1536xf32, #tpu.memory_space<vmem>> -> memref<1x512xf32, #tpu.memory_space<vmem>>
      %dma_start3A_752 = tpu.memref_squeeze %dma_start3A_751 : memref<1x512xf32, #tpu.memory_space<vmem>> -> memref<512xf32, #tpu.memory_space<vmem>>
      %dma_start3A_753 = arith.constant 0 : i32
      %dma_start3A_754 = tpu.memref_slice %arg11[%squeeze3A_747, %dma_start3A_753] : memref<32x512xf32, #tpu.memory_space<vmem_shared>> -> memref<1x512xf32, #tpu.memory_space<vmem_shared>>
      %dma_start3A_755 = tpu.memref_squeeze %dma_start3A_754 : memref<1x512xf32, #tpu.memory_space<vmem_shared>> -> memref<512xf32, #tpu.memory_space<vmem_shared>>
      %dma_start3A_756 = arith.constant 1024 : i32
      %dma_start3A_757 = tpu.memref_slice %arg8[%add3A_749, %dma_start3A_756] : memref<32x1536xf32, #tpu.memory_space<vmem>> -> memref<1x512xf32, #tpu.memory_space<vmem>>
      %dma_start3A_758 = tpu.memref_squeeze %dma_start3A_757 : memref<1x512xf32, #tpu.memory_space<vmem>> -> memref<512xf32, #tpu.memory_space<vmem>>
      %dma_start3A_759 = arith.constant 0 : i32
      %dma_start3A_760 = tpu.memref_slice %arg11[%squeeze3A_747, %dma_start3A_759] : memref<32x512xf32, #tpu.memory_space<vmem_shared>> -> memref<1x512xf32, #tpu.memory_space<vmem_shared>>
      %dma_start3A_761 = tpu.memref_squeeze %dma_start3A_760 : memref<1x512xf32, #tpu.memory_space<vmem_shared>> -> memref<512xf32, #tpu.memory_space<vmem_shared>>
      tpu.enqueue_dma source(%dma_start3A_761 : memref<512xf32, #tpu.memory_space<vmem_shared>>) target(%dma_start3A_758 : memref<512xf32, #tpu.memory_space<vmem>>) target_semaphore(%arg12 : memref<!tpu.dma_semaphore, #tpu.memory_space<semaphore_mem>>)
      %slice3A_762 = vector.extract_strided_slice %and3A_76 {offsets = [11], sizes = [1], strides = [1]} : vector<16xi32> to vector<1xi32>
      %squeeze3A_763 = vector.extract %slice3A_762[0] : i32 from vector<1xi32>
      %add3A_764 = arith.constant 11 : i32
      %add3A_765 = arith.addi %mul3A_43, %add3A_764 : i32
      %dma_start3A_766 = arith.constant 1024 : i32
      %dma_start3A_767 = tpu.memref_slice %arg8[%add3A_765, %dma_start3A_766] : memref<32x1536xf32, #tpu.memory_space<vmem>> -> memref<1x512xf32, #tpu.memory_space<vmem>>
      %dma_start3A_768 = tpu.memref_squeeze %dma_start3A_767 : memref<1x512xf32, #tpu.memory_space<vmem>> -> memref<512xf32, #tpu.memory_space<vmem>>
      %dma_start3A_769 = arith.constant 0 : i32
      %dma_start3A_770 = tpu.memref_slice %arg11[%squeeze3A_763, %dma_start3A_769] : memref<32x512xf32, #tpu.memory_space<vmem_shared>> -> memref<1x512xf32, #tpu.memory_space<vmem_shared>>
      %dma_start3A_771 = tpu.memref_squeeze %dma_start3A_770 : memref<1x512xf32, #tpu.memory_space<vmem_shared>> -> memref<512xf32, #tpu.memory_space<vmem_shared>>
      %dma_start3A_772 = arith.constant 1024 : i32
      %dma_start3A_773 = tpu.memref_slice %arg8[%add3A_765, %dma_start3A_772] : memref<32x1536xf32, #tpu.memory_space<vmem>> -> memref<1x512xf32, #tpu.memory_space<vmem>>
      %dma_start3A_774 = tpu.memref_squeeze %dma_start3A_773 : memref<1x512xf32, #tpu.memory_space<vmem>> -> memref<512xf32, #tpu.memory_space<vmem>>
      %dma_start3A_775 = arith.constant 0 : i32
      %dma_start3A_776 = tpu.memref_slice %arg11[%squeeze3A_763, %dma_start3A_775] : memref<32x512xf32, #tpu.memory_space<vmem_shared>> -> memref<1x512xf32, #tpu.memory_space<vmem_shared>>
      %dma_start3A_777 = tpu.memref_squeeze %dma_start3A_776 : memref<1x512xf32, #tpu.memory_space<vmem_shared>> -> memref<512xf32, #tpu.memory_space<vmem_shared>>
      tpu.enqueue_dma source(%dma_start3A_777 : memref<512xf32, #tpu.memory_space<vmem_shared>>) target(%dma_start3A_774 : memref<512xf32, #tpu.memory_space<vmem>>) target_semaphore(%arg12 : memref<!tpu.dma_semaphore, #tpu.memory_space<semaphore_mem>>)
      %slice3A_778 = vector.extract_strided_slice %and3A_76 {offsets = [12], sizes = [1], strides = [1]} : vector<16xi32> to vector<1xi32>
      %squeeze3A_779 = vector.extract %slice3A_778[0] : i32 from vector<1xi32>
      %add3A_780 = arith.constant 12 : i32
      %add3A_781 = arith.addi %mul3A_43, %add3A_780 : i32
      %dma_start3A_782 = arith.constant 1024 : i32
      %dma_start3A_783 = tpu.memref_slice %arg8[%add3A_781, %dma_start3A_782] : memref<32x1536xf32, #tpu.memory_space<vmem>> -> memref<1x512xf32, #tpu.memory_space<vmem>>
      %dma_start3A_784 = tpu.memref_squeeze %dma_start3A_783 : memref<1x512xf32, #tpu.memory_space<vmem>> -> memref<512xf32, #tpu.memory_space<vmem>>
      %dma_start3A_785 = arith.constant 0 : i32
      %dma_start3A_786 = tpu.memref_slice %arg11[%squeeze3A_779, %dma_start3A_785] : memref<32x512xf32, #tpu.memory_space<vmem_shared>> -> memref<1x512xf32, #tpu.memory_space<vmem_shared>>
      %dma_start3A_787 = tpu.memref_squeeze %dma_start3A_786 : memref<1x512xf32, #tpu.memory_space<vmem_shared>> -> memref<512xf32, #tpu.memory_space<vmem_shared>>
      %dma_start3A_788 = arith.constant 1024 : i32
      %dma_start3A_789 = tpu.memref_slice %arg8[%add3A_781, %dma_start3A_788] : memref<32x1536xf32, #tpu.memory_space<vmem>> -> memref<1x512xf32, #tpu.memory_space<vmem>>
      %dma_start3A_790 = tpu.memref_squeeze %dma_start3A_789 : memref<1x512xf32, #tpu.memory_space<vmem>> -> memref<512xf32, #tpu.memory_space<vmem>>
      %dma_start3A_791 = arith.constant 0 : i32
      %dma_start3A_792 = tpu.memref_slice %arg11[%squeeze3A_779, %dma_start3A_791] : memref<32x512xf32, #tpu.memory_space<vmem_shared>> -> memref<1x512xf32, #tpu.memory_space<vmem_shared>>
      %dma_start3A_793 = tpu.memref_squeeze %dma_start3A_792 : memref<1x512xf32, #tpu.memory_space<vmem_shared>> -> memref<512xf32, #tpu.memory_space<vmem_shared>>
      tpu.enqueue_dma source(%dma_start3A_793 : memref<512xf32, #tpu.memory_space<vmem_shared>>) target(%dma_start3A_790 : memref<512xf32, #tpu.memory_space<vmem>>) target_semaphore(%arg12 : memref<!tpu.dma_semaphore, #tpu.memory_space<semaphore_mem>>)
      %slice3A_794 = vector.extract_strided_slice %and3A_76 {offsets = [13], sizes = [1], strides = [1]} : vector<16xi32> to vector<1xi32>
      %squeeze3A_795 = vector.extract %slice3A_794[0] : i32 from vector<1xi32>
      %add3A_796 = arith.constant 13 : i32
      %add3A_797 = arith.addi %mul3A_43, %add3A_796 : i32
      %dma_start3A_798 = arith.constant 1024 : i32
      %dma_start3A_799 = tpu.memref_slice %arg8[%add3A_797, %dma_start3A_798] : memref<32x1536xf32, #tpu.memory_space<vmem>> -> memref<1x512xf32, #tpu.memory_space<vmem>>
      %dma_start3A_800 = tpu.memref_squeeze %dma_start3A_799 : memref<1x512xf32, #tpu.memory_space<vmem>> -> memref<512xf32, #tpu.memory_space<vmem>>
      %dma_start3A_801 = arith.constant 0 : i32
      %dma_start3A_802 = tpu.memref_slice %arg11[%squeeze3A_795, %dma_start3A_801] : memref<32x512xf32, #tpu.memory_space<vmem_shared>> -> memref<1x512xf32, #tpu.memory_space<vmem_shared>>
      %dma_start3A_803 = tpu.memref_squeeze %dma_start3A_802 : memref<1x512xf32, #tpu.memory_space<vmem_shared>> -> memref<512xf32, #tpu.memory_space<vmem_shared>>
      %dma_start3A_804 = arith.constant 1024 : i32
      %dma_start3A_805 = tpu.memref_slice %arg8[%add3A_797, %dma_start3A_804] : memref<32x1536xf32, #tpu.memory_space<vmem>> -> memref<1x512xf32, #tpu.memory_space<vmem>>
      %dma_start3A_806 = tpu.memref_squeeze %dma_start3A_805 : memref<1x512xf32, #tpu.memory_space<vmem>> -> memref<512xf32, #tpu.memory_space<vmem>>
      %dma_start3A_807 = arith.constant 0 : i32
      %dma_start3A_808 = tpu.memref_slice %arg11[%squeeze3A_795, %dma_start3A_807] : memref<32x512xf32, #tpu.memory_space<vmem_shared>> -> memref<1x512xf32, #tpu.memory_space<vmem_shared>>
      %dma_start3A_809 = tpu.memref_squeeze %dma_start3A_808 : memref<1x512xf32, #tpu.memory_space<vmem_shared>> -> memref<512xf32, #tpu.memory_space<vmem_shared>>
      tpu.enqueue_dma source(%dma_start3A_809 : memref<512xf32, #tpu.memory_space<vmem_shared>>) target(%dma_start3A_806 : memref<512xf32, #tpu.memory_space<vmem>>) target_semaphore(%arg12 : memref<!tpu.dma_semaphore, #tpu.memory_space<semaphore_mem>>)
      %slice3A_810 = vector.extract_strided_slice %and3A_76 {offsets = [14], sizes = [1], strides = [1]} : vector<16xi32> to vector<1xi32>
      %squeeze3A_811 = vector.extract %slice3A_810[0] : i32 from vector<1xi32>
      %add3A_812 = arith.constant 14 : i32
      %add3A_813 = arith.addi %mul3A_43, %add3A_812 : i32
      %dma_start3A_814 = arith.constant 1024 : i32
      %dma_start3A_815 = tpu.memref_slice %arg8[%add3A_813, %dma_start3A_814] : memref<32x1536xf32, #tpu.memory_space<vmem>> -> memref<1x512xf32, #tpu.memory_space<vmem>>
      %dma_start3A_816 = tpu.memref_squeeze %dma_start3A_815 : memref<1x512xf32, #tpu.memory_space<vmem>> -> memref<512xf32, #tpu.memory_space<vmem>>
      %dma_start3A_817 = arith.constant 0 : i32
      %dma_start3A_818 = tpu.memref_slice %arg11[%squeeze3A_811, %dma_start3A_817] : memref<32x512xf32, #tpu.memory_space<vmem_shared>> -> memref<1x512xf32, #tpu.memory_space<vmem_shared>>
      %dma_start3A_819 = tpu.memref_squeeze %dma_start3A_818 : memref<1x512xf32, #tpu.memory_space<vmem_shared>> -> memref<512xf32, #tpu.memory_space<vmem_shared>>
      %dma_start3A_820 = arith.constant 1024 : i32
      %dma_start3A_821 = tpu.memref_slice %arg8[%add3A_813, %dma_start3A_820] : memref<32x1536xf32, #tpu.memory_space<vmem>> -> memref<1x512xf32, #tpu.memory_space<vmem>>
      %dma_start3A_822 = tpu.memref_squeeze %dma_start3A_821 : memref<1x512xf32, #tpu.memory_space<vmem>> -> memref<512xf32, #tpu.memory_space<vmem>>
      %dma_start3A_823 = arith.constant 0 : i32
      %dma_start3A_824 = tpu.memref_slice %arg11[%squeeze3A_811, %dma_start3A_823] : memref<32x512xf32, #tpu.memory_space<vmem_shared>> -> memref<1x512xf32, #tpu.memory_space<vmem_shared>>
      %dma_start3A_825 = tpu.memref_squeeze %dma_start3A_824 : memref<1x512xf32, #tpu.memory_space<vmem_shared>> -> memref<512xf32, #tpu.memory_space<vmem_shared>>
      tpu.enqueue_dma source(%dma_start3A_825 : memref<512xf32, #tpu.memory_space<vmem_shared>>) target(%dma_start3A_822 : memref<512xf32, #tpu.memory_space<vmem>>) target_semaphore(%arg12 : memref<!tpu.dma_semaphore, #tpu.memory_space<semaphore_mem>>)
      %slice3A_826 = vector.extract_strided_slice %and3A_76 {offsets = [15], sizes = [1], strides = [1]} : vector<16xi32> to vector<1xi32>
      %squeeze3A_827 = vector.extract %slice3A_826[0] : i32 from vector<1xi32>
      %add3A_828 = arith.constant 15 : i32
      %add3A_829 = arith.addi %mul3A_43, %add3A_828 : i32
      %dma_start3A_830 = arith.constant 1024 : i32
      %dma_start3A_831 = tpu.memref_slice %arg8[%add3A_829, %dma_start3A_830] : memref<32x1536xf32, #tpu.memory_space<vmem>> -> memref<1x512xf32, #tpu.memory_space<vmem>>
      %dma_start3A_832 = tpu.memref_squeeze %dma_start3A_831 : memref<1x512xf32, #tpu.memory_space<vmem>> -> memref<512xf32, #tpu.memory_space<vmem>>
      %dma_start3A_833 = arith.constant 0 : i32
      %dma_start3A_834 = tpu.memref_slice %arg11[%squeeze3A_827, %dma_start3A_833] : memref<32x512xf32, #tpu.memory_space<vmem_shared>> -> memref<1x512xf32, #tpu.memory_space<vmem_shared>>
      %dma_start3A_835 = tpu.memref_squeeze %dma_start3A_834 : memref<1x512xf32, #tpu.memory_space<vmem_shared>> -> memref<512xf32, #tpu.memory_space<vmem_shared>>
      %dma_start3A_836 = arith.constant 1024 : i32
      %dma_start3A_837 = tpu.memref_slice %arg8[%add3A_829, %dma_start3A_836] : memref<32x1536xf32, #tpu.memory_space<vmem>> -> memref<1x512xf32, #tpu.memory_space<vmem>>
      %dma_start3A_838 = tpu.memref_squeeze %dma_start3A_837 : memref<1x512xf32, #tpu.memory_space<vmem>> -> memref<512xf32, #tpu.memory_space<vmem>>
      %dma_start3A_839 = arith.constant 0 : i32
      %dma_start3A_840 = tpu.memref_slice %arg11[%squeeze3A_827, %dma_start3A_839] : memref<32x512xf32, #tpu.memory_space<vmem_shared>> -> memref<1x512xf32, #tpu.memory_space<vmem_shared>>
      %dma_start3A_841 = tpu.memref_squeeze %dma_start3A_840 : memref<1x512xf32, #tpu.memory_space<vmem_shared>> -> memref<512xf32, #tpu.memory_space<vmem_shared>>
      tpu.enqueue_dma source(%dma_start3A_841 : memref<512xf32, #tpu.memory_space<vmem_shared>>) target(%dma_start3A_838 : memref<512xf32, #tpu.memory_space<vmem>>) target_semaphore(%arg12 : memref<!tpu.dma_semaphore, #tpu.memory_space<semaphore_mem>>)
      %dma_wait3A_842 = arith.constant 0 : i32
      %dma_wait3A_843 = tpu.memref_slice %arg8[%mul3A_43, %dma_wait3A_842] : memref<32x1536xf32, #tpu.memory_space<vmem>> -> memref<16x1536xf32, #tpu.memory_space<vmem>>
      %dma_wait3A_844 = arith.constant 0 : i32
      %dma_wait3A_845 = tpu.memref_slice %arg6[%add3A_46, %dma_wait3A_844] : memref<8192x1536xf32, #tpu.memory_space<hbm>> -> memref<16x1536xf32, #tpu.memory_space<hbm>>
      %dma_wait3A_846 = arith.constant 0 : i32
      %dma_wait3A_847 = tpu.memref_slice %arg8[%mul3A_43, %dma_wait3A_846] : memref<32x1536xf32, #tpu.memory_space<vmem>> -> memref<16x1536xf32, #tpu.memory_space<vmem>>
      %dma_wait3A_848 = arith.constant 0 : i32
      %dma_wait3A_849 = tpu.memref_slice %arg6[%add3A_46, %dma_wait3A_848] : memref<8192x1536xf32, #tpu.memory_space<hbm>> -> memref<16x1536xf32, #tpu.memory_space<hbm>>
      tpu.wait_dma2 semaphore(%arg12 : memref<!tpu.dma_semaphore, #tpu.memory_space<semaphore_mem>>) src(%dma_wait3A_849 : memref<16x1536xf32, #tpu.memory_space<hbm>>) dst(%dma_wait3A_847 : memref<16x1536xf32, #tpu.memory_space<vmem>>)
      %eq3A_850 = arith.constant 0 : i32
      %eq3A_851 = arith.cmpi eq, %select_n3A_41, %eq3A_850 : i32
      %convert_element_type3A_852 = arith.extui %eq3A_851 : i1 to i32
      %cond3A_853 = arith.constant 0 : i32
      %cond3A_854 = arith.cmpi ne, %convert_element_type3A_852, %cond3A_853 : i32
      scf.if %cond3A_854 {
        %dma_start3A_861 = arith.constant 0 : i32
        %dma_start3A_862 = arith.constant 0 : i32
        %dma_start3A_863 = tpu.memref_slice %arg8[%dma_start3A_861, %dma_start3A_862] : memref<32x1536xf32, #tpu.memory_space<vmem>> -> memref<16x1536xf32, #tpu.memory_space<vmem>>
        %dma_start3A_864 = arith.constant 0 : i32
        %dma_start3A_865 = tpu.memref_slice %arg6[%add3A_46, %dma_start3A_864] : memref<8192x1536xf32, #tpu.memory_space<hbm>> -> memref<16x1536xf32, #tpu.memory_space<hbm>>
        %dma_start3A_866 = arith.constant 0 : i32
        %dma_start3A_867 = tpu.memref_slice %arg6[%add3A_46, %dma_start3A_866] : memref<8192x1536xf32, #tpu.memory_space<hbm>> -> memref<16x1536xf32, #tpu.memory_space<hbm>>
        %dma_start3A_868 = arith.constant 0 : i32
        %dma_start3A_869 = arith.constant 0 : i32
        %dma_start3A_870 = tpu.memref_slice %arg8[%dma_start3A_868, %dma_start3A_869] : memref<32x1536xf32, #tpu.memory_space<vmem>> -> memref<16x1536xf32, #tpu.memory_space<vmem>>
        tpu.enqueue_dma source(%dma_start3A_870 : memref<16x1536xf32, #tpu.memory_space<vmem>>) target(%dma_start3A_867 : memref<16x1536xf32, #tpu.memory_space<hbm>>) target_semaphore(%arg13 : memref<!tpu.dma_semaphore, #tpu.memory_space<semaphore_mem>>)
      } else {
      }
      %eq3A_855 = arith.constant 1 : i32
      %eq3A_856 = arith.cmpi eq, %select_n3A_41, %eq3A_855 : i32
      %convert_element_type3A_857 = arith.extui %eq3A_856 : i1 to i32
      %cond3A_858 = arith.constant 0 : i32
      %cond3A_859 = arith.cmpi ne, %convert_element_type3A_857, %cond3A_858 : i32
      scf.if %cond3A_859 {
        %dma_start3A_861 = arith.constant 16 : i32
        %dma_start3A_862 = arith.constant 0 : i32
        %dma_start3A_863 = tpu.memref_slice %arg8[%dma_start3A_861, %dma_start3A_862] : memref<32x1536xf32, #tpu.memory_space<vmem>> -> memref<16x1536xf32, #tpu.memory_space<vmem>>
        %dma_start3A_864 = arith.constant 0 : i32
        %dma_start3A_865 = tpu.memref_slice %arg6[%add3A_46, %dma_start3A_864] : memref<8192x1536xf32, #tpu.memory_space<hbm>> -> memref<16x1536xf32, #tpu.memory_space<hbm>>
        %dma_start3A_866 = arith.constant 0 : i32
        %dma_start3A_867 = tpu.memref_slice %arg6[%add3A_46, %dma_start3A_866] : memref<8192x1536xf32, #tpu.memory_space<hbm>> -> memref<16x1536xf32, #tpu.memory_space<hbm>>
        %dma_start3A_868 = arith.constant 16 : i32
        %dma_start3A_869 = arith.constant 0 : i32
        %dma_start3A_870 = tpu.memref_slice %arg8[%dma_start3A_868, %dma_start3A_869] : memref<32x1536xf32, #tpu.memory_space<vmem>> -> memref<16x1536xf32, #tpu.memory_space<vmem>>
        tpu.enqueue_dma source(%dma_start3A_870 : memref<16x1536xf32, #tpu.memory_space<vmem>>) target(%dma_start3A_867 : memref<16x1536xf32, #tpu.memory_space<hbm>>) target_semaphore(%arg14 : memref<!tpu.dma_semaphore, #tpu.memory_space<semaphore_mem>>)
      } else {
      }
      %scan3A_860 = arith.constant 0 : i32
      scf.yield %scan3A_860 : i32
    }
    %scan3A_10 = arith.constant 16 : i32
    %dma_wait3A = arith.constant 0 : i32
    %dma_wait3A_11 = arith.constant 0 : i32
    %dma_wait3A_12 = tpu.memref_slice %arg8[%dma_wait3A, %dma_wait3A_11] : memref<32x1536xf32, #tpu.memory_space<vmem>> -> memref<16x1536xf32, #tpu.memory_space<vmem>>
    %dma_wait3A_13 = arith.constant 0 : i32
    %dma_wait3A_14 = tpu.memref_slice %arg6[%mul3A_2, %dma_wait3A_13] : memref<8192x1536xf32, #tpu.memory_space<hbm>> -> memref<16x1536xf32, #tpu.memory_space<hbm>>
    %dma_wait3A_15 = arith.constant 0 : i32
    %dma_wait3A_16 = tpu.memref_slice %arg6[%mul3A_2, %dma_wait3A_15] : memref<8192x1536xf32, #tpu.memory_space<hbm>> -> memref<16x1536xf32, #tpu.memory_space<hbm>>
    %dma_wait3A_17 = arith.constant 0 : i32
    %dma_wait3A_18 = arith.constant 0 : i32
    %dma_wait3A_19 = tpu.memref_slice %arg8[%dma_wait3A_17, %dma_wait3A_18] : memref<32x1536xf32, #tpu.memory_space<vmem>> -> memref<16x1536xf32, #tpu.memory_space<vmem>>
    tpu.wait_dma2 semaphore(%arg13 : memref<!tpu.dma_semaphore, #tpu.memory_space<semaphore_mem>>) src(%dma_wait3A_19 : memref<16x1536xf32, #tpu.memory_space<vmem>>) dst(%dma_wait3A_16 : memref<16x1536xf32, #tpu.memory_space<hbm>>)
    %dma_wait3A_20 = arith.constant 16 : i32
    %dma_wait3A_21 = arith.constant 0 : i32
    %dma_wait3A_22 = tpu.memref_slice %arg8[%dma_wait3A_20, %dma_wait3A_21] : memref<32x1536xf32, #tpu.memory_space<vmem>> -> memref<16x1536xf32, #tpu.memory_space<vmem>>
    %dma_wait3A_23 = arith.constant 0 : i32
    %dma_wait3A_24 = tpu.memref_slice %arg6[%mul3A_2, %dma_wait3A_23] : memref<8192x1536xf32, #tpu.memory_space<hbm>> -> memref<16x1536xf32, #tpu.memory_space<hbm>>
    %dma_wait3A_25 = arith.constant 0 : i32
    %dma_wait3A_26 = tpu.memref_slice %arg6[%mul3A_2, %dma_wait3A_25] : memref<8192x1536xf32, #tpu.memory_space<hbm>> -> memref<16x1536xf32, #tpu.memory_space<hbm>>
    %dma_wait3A_27 = arith.constant 16 : i32
    %dma_wait3A_28 = arith.constant 0 : i32
    %dma_wait3A_29 = tpu.memref_slice %arg8[%dma_wait3A_27, %dma_wait3A_28] : memref<32x1536xf32, #tpu.memory_space<vmem>> -> memref<16x1536xf32, #tpu.memory_space<vmem>>
    tpu.wait_dma2 semaphore(%arg14 : memref<!tpu.dma_semaphore, #tpu.memory_space<semaphore_mem>>) src(%dma_wait3A_29 : memref<16x1536xf32, #tpu.memory_space<vmem>>) dst(%dma_wait3A_26 : memref<16x1536xf32, #tpu.memory_space<hbm>>)
    return
  }
}

</mosaic_0001>

<sc_bundles>
// kernel: _run.3.cloned.1.call-start
scs
__scs_entry_jumppad:
0x0: {  	(pc) =	sbr.rel $0x88, $3  }
0x1: {  	(tag) =	ssettag $0x0;
	lr =	simm.s32 $0x1  }
0x2: {  	[smem:$0x3F9D] =	sst lr;
	_ =	strace $0xD0000000  }
0x3: {  	_ = 	snop  }
0x4: {  	_ = 	snop  }
0x5: {  	_ = 	snop  }
0x6: {  	_ = 	snop  }
0x7: {  	_ = 	snop  }
__scs_overlays_trampoline_lowered:
0x8: {  	[smem:$0x3FAC] =	sst s0  }
0x9: {  	[smem:$0x3FAD] =	sst s1  }
0xa: {  	[smem:$0x3FAE] =	sst s2  }
0xb: {  	[smem:$0x3FAF] =	sst s3  }
0xc: {  	[smem:$0x3FB0] =	sst s4  }
0xd: {  	[smem:$0x3FB1] =	sst s5  }
0xe: {  	[smem:$0x3FB2] =	sst s6  }
0xf: {  	[smem:$0x3FB3] =	sst s7  }
0x10: {  	[smem:$0x3FB4] =	sst s8  }
0x11: {  	[smem:$0x3FB5] =	sst s9;
	s0 =	simm.s32 @!p0 $0x0  }
0x12: {  	s1 =	sld [smem:$0x3F9B];
	s0 =	simm.s32 @p0 $0x1  }
0x13: {  	[smem:$0x3FB6] =	sst s0;
	s0 =	simm.s32 @!p1 $0x0  }
0x14: {  	s2 =	sld [smem:$0x3F9A];
	s0 =	simm.s32 @p1 $0x1  }
0x15: {  	[smem:$0x3FB7] =	sst s0;
	s0 =	simm.s32 @!p2 $0x0  }
0x16: {  	s3 =	sld [smem:$0x3FDB];
	s0 =	simm.s32 @p2 $0x1  }
0x17: {  	s4 =	simm.s32 $0x1BF5;
	[smem:$0x3FB9] =	sst s0  }
0x18: {  	s0 =	sld [smem:$0x3F9C];
	_ =	swait.ge [sflag:s4], $0x0  }
0x19: {  	s7 =	sld [smem:$0x3F9D]  }
0x1a: {  	s8 =	sadd.s32 $0xFFFFE003, lr  }
0x1b: {  	s9 =	sadd.s32 $0xFFFFFEF7, lr;
	s5 =	simm.s32 $0xFFFFFFFF;
	p2 =	slt.u32 s8, $0xFFFFF086  }
0x1c: {  	p1 =	slt.u32 s9, $0xF7A;
	s5 =	simm.s32 @!p2 $0x0  }
0x1d: {  	s5 =	simm.s32 @p1 $0x1;
	p0 =	seq.s32 s7, s2  }
0x1e: {  	s7 =	smul.u32 @!p0 $0xF7A, s2;
	p2 =	seq.s32 @!p0 s5, $0x0  }
0x1f: {  	s9 =	smul.u32 $0xF7A, s1;
	s8 =	simm.s32 @!p0 $0x1BF5;
	p2 =	por !p2, p0  }
0x20: {  	[sflag:s8] =	ssyncset.s32 @!p0 $0xFFFFF086;
	s6 =	sadd.s32 @!p0 s3, s7;
	s7 =	simm.s32 @!p0 $0x108  }
0x21: {  	s3 =	sadd.s32 s3, s9;
	s6 =	sadd.s32 @!p0 $0x88, s6;
	s7 =	simm.s32 @p2 $0x1082  }
0x22: {  	[simem:s7], [sflag:s8] =	dma.local @!p0 [hbm:s6], $0xF7A  }
0x23: {  	s9 =	sor.u32 $0xD0000000, s2;
	s6 =	simm.s32 $0x108;
	_ =	swait.ge @!p0 [sflag:s8], $0x0  }
0x24: {  	s3 =	sadd.s32 $0x88, s3;
	s6 =	simm.s32 @!p1 $0x1082;
	[sflag:s4] =	ssyncset.s32 $0xFFFFF086  }
0x25: {  	[simem:s6], [sflag:s4] =	dma.local [hbm:s3], $0xF7A  }
0x26: {  	[smem:$0x3F9D] =	sst s1;
	(tag) =	ssettag s2;
	_ =	strace s9  }
0x27: {  	s1 =	sld [smem:$0x3FAD]  }
0x28: {  	s2 =	sld [smem:$0x3FAE]  }
0x29: {  	s4 =	sld [smem:$0x3FB0]  }
0x2a: {  	p0 =	seq.s32 s5, $0x0;
	s5 =	sld [smem:$0x3FB1]  }
0x2b: {  	s6 =	sld [smem:$0x3FB2]  }
0x2c: {  	s7 =	sld [smem:$0x3FB3]  }
0x2d: {  	s3 =	simm.s32 $0x108;
	s8 =	sld [smem:$0x3FB4]  }
0x2e: {  	s3 =	simm.s32 @!p0 $0x1082;
	s9 =	sld [smem:$0x3FB5]  }
0x2f: {  	lr =	sadd.s32 s0, s3;
	s0 =	sld [smem:$0x3FAC]  }
0x30: {  	s3 =	sld [smem:$0x3FAF]  }
0x31: {  	[smem:$0x3FB8] =	sst s10  }
0x32: {  	s10 =	sld [smem:$0x3FB6];
	_ =	sdelay $0x3  }
0x33: {  	p0 =	seq.s32 s10, $0x1;
	s10 =	sld [smem:$0x3FB8];
	_ =	sdelay $0x3  }
0x34: {  	[smem:$0x3FB8] =	sst s10  }
0x35: {  	s10 =	sld [smem:$0x3FB7];
	_ =	sdelay $0x3  }
0x36: {  	p1 =	seq.s32 s10, $0x1;
	s10 =	sld [smem:$0x3FB8];
	_ =	sdelay $0x3  }
0x37: {  	[smem:$0x3FB8] =	sst s10  }
0x38: {  	s10 =	sld [smem:$0x3FB9]  }
0x39: {  	_ = 	snop;
	(pc) =	sbr.ind lr, $3  }
0x3a: {  	_ = 	snop  }
0x3b: {  	_ = 	snop  }
0x3c: {  	p2 =	seq.s32 s10, $0x1;
	s10 =	sld [smem:$0x3FB8]  }
0x3d: {  	_ =	shalt  }
0x3e: {  	_ =	shalt  }
0x3f: {  	_ =	shalt  }
0x40: {  	_ =	shalt  }
0x41: {  	_ =	shalt  }
0x42: {  	_ =	shalt  }
0x43: {  	_ =	shalt  }
0x44: {  	_ =	shalt  }
0x45: {  	_ =	shalt  }
0x46: {  	_ =	shalt  }
0x47: {  	_ =	shalt  }
0x48: {  	_ =	shalt  }
0x49: {  	_ =	shalt  }
0x4a: {  	_ =	shalt  }
0x4b: {  	_ =	shalt  }
0x4c: {  	_ =	shalt  }
0x4d: {  	_ =	shalt  }
0x4e: {  	_ =	shalt  }
0x4f: {  	_ =	shalt  }
0x50: {  	_ =	shalt  }
0x51: {  	_ =	shalt  }
0x52: {  	_ =	shalt  }
0x53: {  	_ =	shalt  }
0x54: {  	_ =	shalt  }
0x55: {  	_ =	shalt  }
0x56: {  	_ =	shalt  }
0x57: {  	_ =	shalt  }
0x58: {  	_ =	shalt  }
0x59: {  	_ =	shalt  }
0x5a: {  	_ =	shalt  }
0x5b: {  	_ =	shalt  }
0x5c: {  	_ =	shalt  }
0x5d: {  	_ =	shalt  }
0x5e: {  	_ =	shalt  }
0x5f: {  	_ =	shalt  }
0x60: {  	_ =	shalt  }
0x61: {  	_ =	shalt  }
0x62: {  	_ =	shalt  }
0x63: {  	_ =	shalt  }
0x64: {  	_ =	shalt  }
0x65: {  	_ =	shalt  }
0x66: {  	_ =	shalt  }
0x67: {  	_ =	shalt  }
0x68: {  	_ =	shalt  }
0x69: {  	_ =	shalt  }
0x6a: {  	_ =	shalt  }
0x6b: {  	_ =	shalt  }
0x6c: {  	_ =	shalt  }
0x6d: {  	_ =	shalt  }
0x6e: {  	_ =	shalt  }
0x6f: {  	_ =	shalt  }
0x70: {  	_ =	shalt  }
0x71: {  	_ =	shalt  }
0x72: {  	_ =	shalt  }
0x73: {  	_ =	shalt  }
0x74: {  	_ =	shalt  }
0x75: {  	_ =	shalt  }
0x76: {  	_ =	shalt  }
0x77: {  	_ =	shalt  }
0x78: {  	_ =	shalt  }
0x79: {  	_ =	shalt  }
0x7a: {  	_ =	shalt  }
0x7b: {  	_ =	shalt  }
0x7c: {  	_ =	shalt  }
0x7d: {  	_ =	shalt  }
0x7e: {  	_ =	shalt  }
0x7f: {  	_ =	shalt  }
0x80: {  	_ =	shalt  }
0x81: {  	_ =	shalt  }
0x82: {  	_ =	shalt  }
0x83: {  	_ =	shalt  }
0x84: {  	_ =	shalt  }
0x85: {  	_ =	shalt  }
0x86: {  	_ =	shalt  }
0x87: {  	_ =	shalt  }
.Lfunc_end0:
.L_simem_size_0:
called_computation_lowered:
.L_overlay_start_0:
0x88: {  	s2 =	sld [smem:$0x3FD9]  }
0x89: {  	s3 =	sld [smem:$0x3FFE];
	_ =	sdelay $0x1  }
0x8a: {  	s1 =	srdreg.scid  }
0x8b: {  	s0 =	sand.u32 $0x1, s1  }
0x8c: {  	s18 =	sshll.u32 s0, $0xA;
	s2 =	sadd.s32 s3, s2  }
0x8d: {  	s2 =	sadd.s32 s2, s18  }
0x8e: {  	[smem:$0x3FC4] =	sst s2  }
0x8f: {  	_ = 	snop  }
0x90: {  	s2 =	sld [smem:$0x3FC9]  }
0x91: {  	s19 =	sld [smem:$0x3FC8]  }
0x92: {  	s4 =	sld [smem:$0x3FC7]  }
0x93: {  	s5 =	sld [smem:$0x3FC6]  }
0x94: {  	s6 =	sld [smem:$0x3FD0];
	(tm) =	ssettm $0x1  }
0x95: {  	s7 =	sld [smem:$0x3FFB];
	_ =	sdelay $0x3  }
0x96: {  	_ =	strace s7  }
0x97: {  	s7 =	sld [smem:$0x3FFC];
	_ =	sdelay $0x3  }
0x98: {  	_ =	strace s7  }
0x99: {  	s7 =	sld [smem:$0x3FFD];
	_ =	sdelay $0x3  }
0x9a: {  	_ =	strace s7  }
0x9b: {  	_ =	strace $0x8FFFFFFF  }
0x9c: {  	s20 =	sld [smem:$0x3FDB];
	_ =	sdelay $0x1  }
0x9d: {  	s8 =	simm.s32 $_scs_section_size  }
0x9e: {  	s9 =	simm.s32 $_size__tile_overlayer_lowered;
	s10 =	simm.s32 $_tile_overlayer_lowered  }
0x9f: {  	s23 =	simm.s32 $0x1BFF;
	s22 =	sshll.u32 s10, $0x1;
	s7 =	sadd.s32 s8, s20  }
0xa0: {  	s11 =	simm.s32 $0x0;
	s21 =	sshll.u32 s9, $0x1;
	s9 =	sadd.s32 s22, s7  }
0xa1: {  	[timem:s11], [sflag:s23] =	dma.local [hbm:s9], s21  }
0xa2: {  	_ =	swait.ge [sflag:s23], s21  }
0xa3: {  	s8 =	ssub.s32 $0x0, s21;
	[sflag:s23] =	ssyncset.done $0x0  }
0xa4: {  	[sflag:s23] =	ssyncadd.s32 s8;
	_ =	sdelay $0x1  }
0xa5: {  	s24 =	simm.s32 $0x1B8B  }
0xa6: {  	_ =	swait.ge [sflag:s24], $0x1  }
0xa7: {  	[sflag:s24] =	ssyncset.done $0x0  }
0xa8: {  	s25 =	simm.s32 $0x1B8E;
	[sflag:s24] =	ssyncadd.s32 $0xFFFFFFFF  }
0xa9: {  	s26 =	simm.s32 $execute0_lowered;
	[smem:$0x3FD2] =	sst s25  }
0xaa: {  	s8 =	sshll.u32 s26, $0x1;
	_ =	strace $0x80000046;
	[dreg:$0x1] =	wrdreg $0xFFFFFFFF  }
0xab: {  	s28 =	simm.s32 $_size_execute0_lowered;
	s7 =	sadd.s32 s7, s8;
	[dreg:$0x0] =	wrdreg $0x0  }
0xac: {  	s8 =	sshll.u32 s28, $0x1;
	[dreg:$0x2] =	wrdreg s7  }
0xad: {  	[dreg:$0x3] =	wrdreg s8  }
0xae: {  	[dreg:$0x4] =	wrdreg $0xC0  }
0xaf: {  	_ =	task [dreg:s11], $0x5FFFF  }
0xb0: {  	[dreg:$0x1] =	wrdreg $0xFFFFFFFF  }
0xb1: {  	[dreg:$0x0] =	wrdreg $0x60  }
0xb2: {  	[dreg:$0x2] =	wrdreg s2  }
0xb3: {  	[dreg:$0x3] =	wrdreg s19  }
0xb4: {  	[dreg:$0x4] =	wrdreg s4  }
0xb5: {  	[dreg:$0x5] =	wrdreg s5  }
0xb6: {  	[dreg:$0x6] =	wrdreg s6  }
0xb7: {  	[dreg:$0x7] =	wrdreg $0xC1000  }
0xb8: {  	[dreg:$0x8] =	wrdreg $0xC3000  }
0xb9: {  	[dreg:$0x9] =	wrdreg $0xC7000  }
0xba: {  	[dreg:$0xa] =	wrdreg $0x9  }
0xbb: {  	_ =	task.clear_ibuf [dreg:s11], $0xBFFFF;
	_ =	strace $0x90000046  }
0xbc: {  	s29 =	simm.s32 $0x9;
	_ =	strace $0x80000048  }
0xbd: {  	_ =	swait.ge [sflag:s29], $0x1  }
0xbe: {  	[sflag:s29] =	ssyncadd.s32 $0xFFFFFFFF  }
0xbf: {  	_ =	strace $0x90000048  }
0xc0: {  	_ =	sfence  }
0xc1: {  	s30 =	sld [smem:$0x0];
	_ =	sdelay $0x2  }
0xc2: {  	s31 =	sshll.u32 s1, $0xD;
	s1 =	sshrl.u32 s1, $0x2  }
0xc3: {  	s3 =	sand.u32 $0x4000, s31;
	s1 =	sadd.s32 s1, s30  }
0xc4: {  	s0 =	sor.u32 s3, s0;
	s1 =	sshll.u32 s1, $0x11  }
0xc5: {  	s0 =	sor.u32 s1, s0  }
0xc6: {  	s0 =	sadd.s32 $0x8F2B, s0  }
0xc7: {  	[sflag:s0] =	ssyncadd.remote.s32 $0x1  }
0xc8: {  	_ =	sfence.sel $0xFFFF  }
0xc9: {  	[dreg:$0x0] =	wrdreg $0xFFFFFFFF;
	(pc) =	sbr.abs _section_cstart, $3  }
0xca: {  	[dreg:$0x1] =	wrdreg $0xFFFFFFFF  }
0xcb: {  	_ =	task.clear_ibuf [dreg:s11], $0x2FFFF;
	_ =	strace $0x9FFFFFFF  }
0xcc: {  	(tm) =	ssettm $0x7FFFFFFF  }
0xcd: {  	_ =	shalt  }
tec
execute0_lowered:
.L_overlay_start_1:
0x0: {  	(tag) =	ssettag $0x1  }
0x1: {  	s8 =	rddreg [dreg:$0x0]  }
0x2: {  	s0 =	rddreg [dreg:$0x1]  }
0x3: {  	s1 =	rddreg [dreg:$0x2]  }
0x4: {  	s2 =	rddreg [dreg:$0x3]  }
0x5: {  	s10 =	rddreg [dreg:$0x4]  }
0x6: {  	s3 =	rddreg [dreg:$0x5]  }
0x7: {  	s5 =	rddreg [dreg:$0x6];
	s4 =	srdreg.scid  }
0x8: {  	s6 =	rddreg [dreg:$0x7];
	s11 =	stileid.u32;
	s7 =	simm.s32 $0x0  }
0x9: {  	s14 =	simm.s32 $0x4;
	s15 =	simm.s32 $0x1;
	s16 =	simm.s32 $0x2  }
0xa: {  	s17 =	simm.s32 $0x3;
	s18 =	simm.s32 $0x0;
	s9 =	sand.u32 $0x1, s4  }
0xb: {  	s4 =	rddreg [dreg:$0x8];
	s12 =	sshll.u32 s11, $0x9;
	s13 =	sshll.u32 s9, $0x8  }
0xc: {  	[smem:$0x7FF] =	sst s7;
	p0 =	sne.s32 s11, $0x0;
	s12 =	sor.u32 s13, s12  }
0xd: {  	s9 =	ssub.s32 $0x2, s9;
	_ =	strace $0x80000047;
	s12 =	sshrl.u32 s12, $0x3  }
0xe: {  	s11 =	sshrl.u32 @!p0 s3, $0x3;
	s30 =	sshrl.u32 s9, $0x1;
	s31 =	smul.u32 $0x600, s12  }
0xf: {  	s13 =	sshrl.u32 @!p0 s6, $0x3;
	s9 =	ssub.s32 s9, s30;
	s8 =	sadd.s32 s8, s12  }
0x10: {  	s9 =	smax.u32 s9, $0x1;
	s12 =	sshrl.u32 @!p0 s5, $0x3;
	s10 =	sadd.s32 s31, s10  }
.LBB2_1:
0x11: {  	s19 =	simm.s32 @!p0 $0x1C04;
	s20 =	simm.s32 @!p0 $0x4  }
0x12: {  	[spmem:s11], [sflag:s19] =	dma.local @!p0 [hbm:s0], $0x400  }
0x13: {  	_ =	swait.ge @!p0 [sflag:s20], $0x400  }
0x14: {  	[sflag:s20] =	ssyncset.done @!p0 $0x0  }
0x15: {  	[sflag:s20] =	ssyncadd.s32 @!p0 $0xFFFFFC00  }
0x16: {  	[spmem:s12], [sflag:s19] =	dma.local @!p0 [hbm:s1], $0x800  }
0x17: {  	_ =	swait.ge @!p0 [sflag:s20], $0x800  }
0x18: {  	[sflag:s20] =	ssyncset.done @!p0 $0x0  }
0x19: {  	[sflag:s20] =	ssyncadd.s32 @!p0 $0xFFFFF800  }
0x1a: {  	[spmem:s13], [sflag:s19] =	dma.local @!p0 [hbm:s2], $0x800  }
0x1b: {  	_ =	swait.ge @!p0 [sflag:s20], $0x800  }
0x1c: {  	[sflag:s20] =	ssyncset.done @!p0 $0x0  }
0x1d: {  	[sflag:s20] =	ssyncadd.s32 @!p0 $0xFFFFF800  }
0x1e: {  	[tilespmem:s7], [sflag:$0x4] =	stream.linear.gather [hbm4b:s8+s7], $0x100, $0x38;
	[tilespmem:$0xCB00] =	vst v63  }
0x1f: {  	_ =	swait.ge [sflag:s14], $0x100  }
0x20: {  	[sflag:s14] =	ssyncset.done $0x0  }
0x21: {  	s21 =	simm.s32 $0x0;
	[sflag:s14] =	ssyncadd.s32 $0xFFFFFF00  }
0x22: {  	s19 =	simm.s32 $0x0;
	s20 =	smov.u32 s10;
	[bflag:$0x0] =	sbarrier.arrive $0xFFFF  }
.LBB2_2:
0x23: {  	s22 =	sand.u32 $0x1, s21;
	p2 =	slt.u32 s21, $0x2  }
0x24: {  	p1 =	sne.s32 @!p2 s22, $0x0  }
0x25: {  	p3 =	por p1, p2  }
0x26: {  	s23 =	simm.s32 @!p3 $0x2  }
0x27: {  	p1 =	seq.s32 s22, $0x1;
	_ =	swait.ge @!p3 [sflag:s23], $0x6000  }
0x28: {  	p2 =	por !p1, p2;
	[sflag:s23] =	ssyncset.done @!p3 $0x0  }
0x29: {  	[sflag:s23] =	ssyncadd.s32 @!p3 $0xFFFFA000;
	s23 =	simm.s32 @!p2 $0x3  }
0x2a: {  	_ =	swait.ge @!p2 [sflag:s23], $0x6000  }
0x2b: {  	[sflag:s23] =	ssyncset.done @!p2 $0x0  }
0x2c: {  	[sflag:s23] =	ssyncadd.s32 @!p2 $0xFFFFA000  }
0x2d: {  	v0 =	vld [tilespmem:s19+$0x0];
	_ =	sdelay $0x4  }
0x2e: {  	v1 =	vshrl.u32 v0, $0xA  }
0x2f: {  	(v2sf) =	vpush v1, $0x0;
	_ =	sdelay $0x7  }
0x30: {  	(v2sf) =	vpush v1, $0x1;
	_ =	sdelay $0x6  }
0x31: {  	s31 =	spop (v2sf)  }
0x32: {  	s24 =	smul.u32 $0x18000, s22;
	s25 =	sshll.u32 s31, $0x9  }
0x33: {  	s26 =	sshll.u32 s31, $0x7;
	s25 =	sand.u32 $0x7FFFF000, s25  }
0x34: {  	s23 =	sshrl.u32 s24, $0x2;
	(v2sf) =	vpush v1, $0x2;
	s26 =	sand.u32 $0x380, s26;
	s25 =	sadd.s32 s25, s3  }
0x35: {  	s28 =	sor.u32 $0x100, s23;
	s24 =	sadd.s32 s26, s25  }
0x36: {  	[tilespmem:s28], [sflag:$0x1] =	stream.linear.gather [spmem:s24], $0x80, $0x38;
	[tilespmem:$0xCB00] =	vst v63  }
0x37: {  	s29 =	sor.u32 $0x500, s23;
	s25 =	sadd.s32 $0x400, s24  }
0x38: {  	[tilespmem:s29], [sflag:$0x1] =	stream.linear.gather [spmem:s25], $0x80, $0x38;
	[tilespmem:$0xCB00] =	vst v63  }
0x39: {  	s31 =	sor.u32 $0x900, s23;
	s30 =	sadd.s32 $0x800, s24;
	s28 =	spop (v2sf)  }
0x3a: {  	[tilespmem:s31], [sflag:$0x1] =	stream.linear.gather [spmem:s30], $0x80, $0x38;
	[tilespmem:$0xCB00] =	vst v63  }
0x3b: {  	s26 =	sor.u32 $0xD00, s23;
	s24 =	sadd.s32 $0xC00, s24;
	s29 =	sshll.u32 s28, $0x9  }
0x3c: {  	[tilespmem:s26], [sflag:$0x1] =	stream.linear.gather [spmem:s24], $0x80, $0x38;
	[tilespmem:$0xCB00] =	vst v63  }
0x3d: {  	s25 =	sand.u32 $0x7FFFF000, s29;
	s24 =	sshll.u32 s28, $0x7  }
0x3e: {  	(v2sf) =	vpush v1, $0x3;
	s25 =	sadd.s32 s25, s3;
	s24 =	sand.u32 $0x380, s24  }
0x3f: {  	s30 =	sor.u32 $0x180, s23;
	s24 =	sadd.s32 s24, s25  }
0x40: {  	[tilespmem:s30], [sflag:$0x1] =	stream.linear.gather [spmem:s24], $0x80, $0x38;
	[tilespmem:$0xCB00] =	vst v63  }
0x41: {  	s31 =	sor.u32 $0x580, s23;
	s25 =	sadd.s32 $0x400, s24  }
0x42: {  	[tilespmem:s31], [sflag:$0x1] =	stream.linear.gather [spmem:s25], $0x80, $0x38;
	[tilespmem:$0xCB00] =	vst v63  }
0x43: {  	s29 =	sor.u32 $0x980, s23;
	s28 =	sadd.s32 $0x800, s24;
	s31 =	spop (v2sf)  }
0x44: {  	[tilespmem:s29], [sflag:$0x1] =	stream.linear.gather [spmem:s28], $0x80, $0x38;
	[tilespmem:$0xCB00] =	vst v63  }
0x45: {  	s24 =	sadd.s32 $0xC00, s24;
	s30 =	sor.u32 $0xD80, s23;
	s26 =	sshll.u32 s31, $0x9  }
0x46: {  	[tilespmem:s30], [sflag:$0x1] =	stream.linear.gather [spmem:s24], $0x80, $0x38;
	[tilespmem:$0xCB00] =	vst v63  }
0x47: {  	s25 =	sand.u32 $0x7FFFF000, s26;
	s24 =	sshll.u32 s31, $0x7  }
0x48: {  	(v2sf) =	vpush v1, $0x4;
	s25 =	sadd.s32 s25, s3;
	s24 =	sand.u32 $0x380, s24  }
0x49: {  	s28 =	sor.u32 $0x200, s23;
	s24 =	sadd.s32 s24, s25  }
0x4a: {  	[tilespmem:s28], [sflag:$0x1] =	stream.linear.gather [spmem:s24], $0x80, $0x38;
	[tilespmem:$0xCB00] =	vst v63  }
0x4b: {  	s29 =	sor.u32 $0x600, s23;
	s25 =	sadd.s32 $0x400, s24  }
0x4c: {  	[tilespmem:s29], [sflag:$0x1] =	stream.linear.gather [spmem:s25], $0x80, $0x38;
	[tilespmem:$0xCB00] =	vst v63  }
0x4d: {  	s31 =	sor.u32 $0xA00, s23;
	s30 =	sadd.s32 $0x800, s24;
	s28 =	spop (v2sf)  }
0x4e: {  	[tilespmem:s31], [sflag:$0x1] =	stream.linear.gather [spmem:s30], $0x80, $0x38;
	[tilespmem:$0xCB00] =	vst v63  }
0x4f: {  	s26 =	sor.u32 $0xE00, s23;
	s24 =	sadd.s32 $0xC00, s24;
	s29 =	sshll.u32 s28, $0x9  }
0x50: {  	[tilespmem:s26], [sflag:$0x1] =	stream.linear.gather [spmem:s24], $0x80, $0x38;
	[tilespmem:$0xCB00] =	vst v63  }
0x51: {  	s25 =	sand.u32 $0x7FFFF000, s29;
	s24 =	sshll.u32 s28, $0x7  }
0x52: {  	(v2sf) =	vpush v1, $0x5;
	s25 =	sadd.s32 s25, s3;
	s24 =	sand.u32 $0x380, s24  }
0x53: {  	s30 =	sor.u32 $0x280, s23;
	s24 =	sadd.s32 s24, s25  }
0x54: {  	[tilespmem:s30], [sflag:$0x1] =	stream.linear.gather [spmem:s24], $0x80, $0x38;
	[tilespmem:$0xCB00] =	vst v63  }
0x55: {  	s31 =	sor.u32 $0x680, s23;
	s25 =	sadd.s32 $0x400, s24  }
0x56: {  	[tilespmem:s31], [sflag:$0x1] =	stream.linear.gather [spmem:s25], $0x80, $0x38;
	[tilespmem:$0xCB00] =	vst v63  }
0x57: {  	s29 =	sor.u32 $0xA80, s23;
	s28 =	sadd.s32 $0x800, s24;
	s31 =	spop (v2sf)  }
0x58: {  	[tilespmem:s29], [sflag:$0x1] =	stream.linear.gather [spmem:s28], $0x80, $0x38;
	[tilespmem:$0xCB00] =	vst v63  }
0x59: {  	s24 =	sadd.s32 $0xC00, s24;
	s30 =	sor.u32 $0xE80, s23;
	s26 =	sshll.u32 s31, $0x9  }
0x5a: {  	[tilespmem:s30], [sflag:$0x1] =	stream.linear.gather [spmem:s24], $0x80, $0x38;
	[tilespmem:$0xCB00] =	vst v63  }
0x5b: {  	s25 =	sand.u32 $0x7FFFF000, s26;
	s24 =	sshll.u32 s31, $0x7  }
0x5c: {  	(v2sf) =	vpush v1, $0x6;
	s25 =	sadd.s32 s25, s3;
	s24 =	sand.u32 $0x380, s24  }
0x5d: {  	s28 =	sor.u32 $0x300, s23;
	s24 =	sadd.s32 s24, s25  }
0x5e: {  	[tilespmem:s28], [sflag:$0x1] =	stream.linear.gather [spmem:s24], $0x80, $0x38;
	[tilespmem:$0xCB00] =	vst v63  }
0x5f: {  	s29 =	sor.u32 $0x700, s23;
	s25 =	sadd.s32 $0x400, s24  }
0x60: {  	[tilespmem:s29], [sflag:$0x1] =	stream.linear.gather [spmem:s25], $0x80, $0x38;
	[tilespmem:$0xCB00] =	vst v63  }
0x61: {  	s31 =	sor.u32 $0xB00, s23;
	s30 =	sadd.s32 $0x800, s24;
	s28 =	spop (v2sf)  }
0x62: {  	[tilespmem:s31], [sflag:$0x1] =	stream.linear.gather [spmem:s30], $0x80, $0x38;
	[tilespmem:$0xCB00] =	vst v63  }
0x63: {  	s26 =	sor.u32 $0xF00, s23;
	s24 =	sadd.s32 $0xC00, s24;
	s29 =	sshll.u32 s28, $0x9  }
0x64: {  	[tilespmem:s26], [sflag:$0x1] =	stream.linear.gather [spmem:s24], $0x80, $0x38;
	[tilespmem:$0xCB00] =	vst v63  }
0x65: {  	s25 =	sand.u32 $0x7FFFF000, s29;
	s24 =	sshll.u32 s28, $0x7  }
0x66: {  	(v2sf) =	vpush v1, $0x7;
	s25 =	sadd.s32 s25, s3;
	s24 =	sand.u32 $0x380, s24  }
0x67: {  	s30 =	sor.u32 $0x380, s23;
	s24 =	sadd.s32 s24, s25  }
0x68: {  	[tilespmem:s30], [sflag:$0x1] =	stream.linear.gather [spmem:s24], $0x80, $0x38;
	[tilespmem:$0xCB00] =	vst v63  }
0x69: {  	s31 =	sor.u32 $0x780, s23;
	s25 =	sadd.s32 $0x400, s24  }
0x6a: {  	[tilespmem:s31], [sflag:$0x1] =	stream.linear.gather [spmem:s25], $0x80, $0x38;
	[tilespmem:$0xCB00] =	vst v63  }
0x6b: {  	s29 =	sor.u32 $0xB80, s23;
	s28 =	sadd.s32 $0x800, s24;
	s31 =	spop (v2sf)  }
0x6c: {  	[tilespmem:s29], [sflag:$0x1] =	stream.linear.gather [spmem:s28], $0x80, $0x38;
	[tilespmem:$0xCB00] =	vst v63  }
0x6d: {  	s24 =	sadd.s32 $0xC00, s24;
	s30 =	sor.u32 $0xF80, s23;
	s26 =	sshll.u32 s31, $0x9  }
0x6e: {  	[tilespmem:s30], [sflag:$0x1] =	stream.linear.gather [spmem:s24], $0x80, $0x38;
	[tilespmem:$0xCB00] =	vst v63  }
0x6f: {  	s25 =	sand.u32 $0x7FFFF000, s26;
	s24 =	sshll.u32 s31, $0x7  }
0x70: {  	(v2sf) =	vpush v1, $0x8;
	s25 =	sadd.s32 s25, s3;
	s24 =	sand.u32 $0x380, s24  }
0x71: {  	s28 =	sor.u32 $0x400, s23;
	s24 =	sadd.s32 s24, s25  }
0x72: {  	[tilespmem:s28], [sflag:$0x1] =	stream.linear.gather [spmem:s24], $0x80, $0x38;
	[tilespmem:$0xCB00] =	vst v63  }
0x73: {  	s29 =	sor.u32 $0x800, s23;
	s25 =	sadd.s32 $0x400, s24  }
0x74: {  	[tilespmem:s29], [sflag:$0x1] =	stream.linear.gather [spmem:s25], $0x80, $0x38;
	[tilespmem:$0xCB00] =	vst v63  }
0x75: {  	s31 =	sor.u32 $0xC00, s23;
	s30 =	sadd.s32 $0x800, s24;
	s28 =	spop (v2sf)  }
0x76: {  	[tilespmem:s31], [sflag:$0x1] =	stream.linear.gather [spmem:s30], $0x80, $0x38;
	[tilespmem:$0xCB00] =	vst v63  }
0x77: {  	s26 =	sor.u32 $0x1000, s23;
	s24 =	sadd.s32 $0xC00, s24;
	s29 =	sshll.u32 s28, $0x9  }
0x78: {  	[tilespmem:s26], [sflag:$0x1] =	stream.linear.gather [spmem:s24], $0x80, $0x38;
	[tilespmem:$0xCB00] =	vst v63  }
0x79: {  	s25 =	sand.u32 $0x7FFFF000, s29;
	s24 =	sshll.u32 s28, $0x7  }
0x7a: {  	(v2sf) =	vpush v1, $0x9;
	s25 =	sadd.s32 s25, s3;
	s24 =	sand.u32 $0x380, s24  }
0x7b: {  	s30 =	sor.u32 $0x480, s23;
	s24 =	sadd.s32 s24, s25  }
0x7c: {  	[tilespmem:s30], [sflag:$0x1] =	stream.linear.gather [spmem:s24], $0x80, $0x38;
	[tilespmem:$0xCB00] =	vst v63  }
0x7d: {  	s31 =	sor.u32 $0x880, s23;
	s25 =	sadd.s32 $0x400, s24  }
0x7e: {  	[tilespmem:s31], [sflag:$0x1] =	stream.linear.gather [spmem:s25], $0x80, $0x38;
	[tilespmem:$0xCB00] =	vst v63  }
0x7f: {  	s29 =	sor.u32 $0xC80, s23;
	s28 =	sadd.s32 $0x800, s24;
	s31 =	spop (v2sf)  }
0x80: {  	[tilespmem:s29], [sflag:$0x1] =	stream.linear.gather [spmem:s28], $0x80, $0x38;
	[tilespmem:$0xCB00] =	vst v63  }
0x81: {  	s24 =	sadd.s32 $0xC00, s24;
	s30 =	sor.u32 $0x1080, s23;
	s26 =	sshll.u32 s31, $0x9  }
0x82: {  	[tilespmem:s30], [sflag:$0x1] =	stream.linear.gather [spmem:s24], $0x80, $0x38;
	[tilespmem:$0xCB00] =	vst v63  }
0x83: {  	s25 =	sand.u32 $0x7FFFF000, s26;
	s24 =	sshll.u32 s31, $0x7  }
0x84: {  	(v2sf) =	vpush v1, $0xA;
	s25 =	sadd.s32 s25, s3;
	s24 =	sand.u32 $0x380, s24  }
0x85: {  	s28 =	sadd.s32 $0x3100, s23;
	s24 =	sadd.s32 s24, s25  }
0x86: {  	[tilespmem:s28], [sflag:$0x1] =	stream.linear.gather [spmem:s24], $0x80, $0x38;
	[tilespmem:$0xCB00] =	vst v63  }
0x87: {  	s29 =	sadd.s32 $0x3500, s23;
	s25 =	sadd.s32 $0x400, s24  }
0x88: {  	[tilespmem:s29], [sflag:$0x1] =	stream.linear.gather [spmem:s25], $0x80, $0x38;
	[tilespmem:$0xCB00] =	vst v63  }
0x89: {  	s31 =	sadd.s32 $0x3900, s23;
	s30 =	sadd.s32 $0x800, s24;
	s28 =	spop (v2sf)  }
0x8a: {  	[tilespmem:s31], [sflag:$0x1] =	stream.linear.gather [spmem:s30], $0x80, $0x38;
	[tilespmem:$0xCB00] =	vst v63  }
0x8b: {  	s26 =	sadd.s32 $0x3D00, s23;
	s24 =	sadd.s32 $0xC00, s24;
	s29 =	sshll.u32 s28, $0x9  }
0x8c: {  	[tilespmem:s26], [sflag:$0x1] =	stream.linear.gather [spmem:s24], $0x80, $0x38;
	[tilespmem:$0xCB00] =	vst v63  }
0x8d: {  	s25 =	sand.u32 $0x7FFFF000, s29;
	s24 =	sshll.u32 s28, $0x7  }
0x8e: {  	(v2sf) =	vpush v1, $0xB;
	s25 =	sadd.s32 s25, s3;
	s24 =	sand.u32 $0x380, s24  }
0x8f: {  	s30 =	sadd.s32 $0x3180, s23;
	s24 =	sadd.s32 s24, s25  }
0x90: {  	[tilespmem:s30], [sflag:$0x1] =	stream.linear.gather [spmem:s24], $0x80, $0x38;
	[tilespmem:$0xCB00] =	vst v63  }
0x91: {  	s31 =	sadd.s32 $0x3580, s23;
	s25 =	sadd.s32 $0x400, s24  }
0x92: {  	[tilespmem:s31], [sflag:$0x1] =	stream.linear.gather [spmem:s25], $0x80, $0x38;
	[tilespmem:$0xCB00] =	vst v63  }
0x93: {  	s29 =	sadd.s32 $0x3980, s23;
	s28 =	sadd.s32 $0x800, s24;
	s31 =	spop (v2sf)  }
0x94: {  	[tilespmem:s29], [sflag:$0x1] =	stream.linear.gather [spmem:s28], $0x80, $0x38;
	[tilespmem:$0xCB00] =	vst v63  }
0x95: {  	s24 =	sadd.s32 $0xC00, s24;
	s30 =	sadd.s32 $0x3D80, s23;
	s26 =	sshll.u32 s31, $0x9  }
0x96: {  	[tilespmem:s30], [sflag:$0x1] =	stream.linear.gather [spmem:s24], $0x80, $0x38;
	[tilespmem:$0xCB00] =	vst v63  }
0x97: {  	s25 =	sand.u32 $0x7FFFF000, s26;
	s24 =	sshll.u32 s31, $0x7  }
0x98: {  	(v2sf) =	vpush v1, $0xC;
	s25 =	sadd.s32 s25, s3;
	s24 =	sand.u32 $0x380, s24  }
0x99: {  	s28 =	sadd.s32 $0x3200, s23;
	s24 =	sadd.s32 s24, s25  }
0x9a: {  	[tilespmem:s28], [sflag:$0x1] =	stream.linear.gather [spmem:s24], $0x80, $0x38;
	[tilespmem:$0xCB00] =	vst v63  }
0x9b: {  	s29 =	sadd.s32 $0x3600, s23;
	s25 =	sadd.s32 $0x400, s24  }
0x9c: {  	[tilespmem:s29], [sflag:$0x1] =	stream.linear.gather [spmem:s25], $0x80, $0x38;
	[tilespmem:$0xCB00] =	vst v63  }
0x9d: {  	s31 =	sadd.s32 $0x3A00, s23;
	s30 =	sadd.s32 $0x800, s24;
	s28 =	spop (v2sf)  }
0x9e: {  	[tilespmem:s31], [sflag:$0x1] =	stream.linear.gather [spmem:s30], $0x80, $0x38;
	[tilespmem:$0xCB00] =	vst v63  }
0x9f: {  	s26 =	sadd.s32 $0x3E00, s23;
	s24 =	sadd.s32 $0xC00, s24;
	s29 =	sshll.u32 s28, $0x9  }
0xa0: {  	[tilespmem:s26], [sflag:$0x1] =	stream.linear.gather [spmem:s24], $0x80, $0x38;
	[tilespmem:$0xCB00] =	vst v63  }
0xa1: {  	s25 =	sand.u32 $0x7FFFF000, s29;
	s24 =	sshll.u32 s28, $0x7  }
0xa2: {  	(v2sf) =	vpush v1, $0xD;
	s25 =	sadd.s32 s25, s3;
	s24 =	sand.u32 $0x380, s24  }
0xa3: {  	s30 =	sadd.s32 $0x3280, s23;
	s24 =	sadd.s32 s24, s25  }
0xa4: {  	[tilespmem:s30], [sflag:$0x1] =	stream.linear.gather [spmem:s24], $0x80, $0x38;
	[tilespmem:$0xCB00] =	vst v63  }
0xa5: {  	s31 =	sadd.s32 $0x3680, s23;
	s25 =	sadd.s32 $0x400, s24  }
0xa6: {  	[tilespmem:s31], [sflag:$0x1] =	stream.linear.gather [spmem:s25], $0x80, $0x38;
	[tilespmem:$0xCB00] =	vst v63  }
0xa7: {  	s29 =	sadd.s32 $0x3A80, s23;
	s28 =	sadd.s32 $0x800, s24;
	s31 =	spop (v2sf)  }
0xa8: {  	[tilespmem:s29], [sflag:$0x1] =	stream.linear.gather [spmem:s28], $0x80, $0x38;
	[tilespmem:$0xCB00] =	vst v63  }
0xa9: {  	s24 =	sadd.s32 $0xC00, s24;
	s30 =	sadd.s32 $0x3E80, s23;
	s26 =	sshll.u32 s31, $0x9  }
0xaa: {  	[tilespmem:s30], [sflag:$0x1] =	stream.linear.gather [spmem:s24], $0x80, $0x38;
	[tilespmem:$0xCB00] =	vst v63  }
0xab: {  	s25 =	sand.u32 $0x7FFFF000, s26;
	s24 =	sshll.u32 s31, $0x7  }
0xac: {  	(v2sf) =	vpush v1, $0xE;
	s25 =	sadd.s32 s25, s3;
	s24 =	sand.u32 $0x380, s24  }
0xad: {  	s28 =	sadd.s32 $0x3300, s23;
	s24 =	sadd.s32 s24, s25  }
0xae: {  	[tilespmem:s28], [sflag:$0x1] =	stream.linear.gather [spmem:s24], $0x80, $0x38;
	[tilespmem:$0xCB00] =	vst v63  }
0xaf: {  	s29 =	sadd.s32 $0x3700, s23;
	s25 =	sadd.s32 $0x400, s24  }
0xb0: {  	[tilespmem:s29], [sflag:$0x1] =	stream.linear.gather [spmem:s25], $0x80, $0x38;
	[tilespmem:$0xCB00] =	vst v63  }
0xb1: {  	s31 =	sadd.s32 $0x3B00, s23;
	s30 =	sadd.s32 $0x800, s24;
	s28 =	spop (v2sf)  }
0xb2: {  	[tilespmem:s31], [sflag:$0x1] =	stream.linear.gather [spmem:s30], $0x80, $0x38;
	[tilespmem:$0xCB00] =	vst v63  }
0xb3: {  	s26 =	sadd.s32 $0x3F00, s23;
	s24 =	sadd.s32 $0xC00, s24;
	s29 =	sshll.u32 s28, $0x9  }
0xb4: {  	[tilespmem:s26], [sflag:$0x1] =	stream.linear.gather [spmem:s24], $0x80, $0x38;
	[tilespmem:$0xCB00] =	vst v63  }
0xb5: {  	s25 =	sand.u32 $0x7FFFF000, s29;
	s24 =	sshll.u32 s28, $0x7  }
0xb6: {  	(v2sf) =	vpush v1, $0xF;
	s25 =	sadd.s32 s25, s3;
	s24 =	sand.u32 $0x380, s24  }
0xb7: {  	s30 =	sadd.s32 $0x3380, s23;
	s24 =	sadd.s32 s24, s25  }
0xb8: {  	[tilespmem:s30], [sflag:$0x1] =	stream.linear.gather [spmem:s24], $0x80, $0x38;
	[tilespmem:$0xCB00] =	vst v63  }
0xb9: {  	s31 =	sadd.s32 $0x3780, s23;
	s25 =	sadd.s32 $0x400, s24  }
0xba: {  	[tilespmem:s31], [sflag:$0x1] =	stream.linear.gather [spmem:s25], $0x80, $0x38;
	[tilespmem:$0xCB00] =	vst v63  }
0xbb: {  	s29 =	sadd.s32 $0x3B80, s23;
	s28 =	sadd.s32 $0x800, s24;
	s31 =	spop (v2sf)  }
0xbc: {  	[tilespmem:s29], [sflag:$0x1] =	stream.linear.gather [spmem:s28], $0x80, $0x38;
	[tilespmem:$0xCB00] =	vst v63  }
0xbd: {  	s24 =	sadd.s32 $0xC00, s24;
	s30 =	sadd.s32 $0x3F80, s23;
	s26 =	sshll.u32 s31, $0x9  }
0xbe: {  	v63 =	vshrl.u32 v0, $0x5;
	[tilespmem:s30], [sflag:$0x1] =	stream.linear.gather [spmem:s24], $0x80, $0x38;
	[tilespmem:$0xCB00] =	vst v63  }
0xbf: {  	v1 =	vand.u32 $0x1F, v63;
	s25 =	sand.u32 $0x7FFFF000, s26;
	s24 =	sshll.u32 s31, $0x7  }
0xc0: {  	(v2sf) =	vpush v1, $0x0;
	s25 =	sadd.s32 s25, s3;
	s24 =	sand.u32 $0x380, s24  }
0xc1: {  	s28 =	sadd.s32 $0x3400, s23;
	s24 =	sadd.s32 s24, s25  }
0xc2: {  	[tilespmem:s28], [sflag:$0x1] =	stream.linear.gather [spmem:s24], $0x80, $0x38;
	[tilespmem:$0xCB00] =	vst v63  }
0xc3: {  	s29 =	sadd.s32 $0x3800, s23;
	s25 =	sadd.s32 $0x400, s24  }
0xc4: {  	[tilespmem:s29], [sflag:$0x1] =	stream.linear.gather [spmem:s25], $0x80, $0x38;
	[tilespmem:$0xCB00] =	vst v63  }
0xc5: {  	s31 =	sadd.s32 $0x3C00, s23;
	s30 =	sadd.s32 $0x800, s24;
	s28 =	spop (v2sf)  }
0xc6: {  	[tilespmem:s31], [sflag:$0x1] =	stream.linear.gather [spmem:s30], $0x80, $0x38;
	[tilespmem:$0xCB00] =	vst v63  }
0xc7: {  	s26 =	sadd.s32 $0x4000, s23;
	s24 =	sadd.s32 $0xC00, s24;
	s29 =	sshll.u32 s28, $0x9  }
0xc8: {  	[tilespmem:s26], [sflag:$0x1] =	stream.linear.gather [spmem:s24], $0x80, $0x38;
	[tilespmem:$0xCB00] =	vst v63  }
0xc9: {  	s25 =	sand.u32 $0x7FFFF000, s29;
	s24 =	sshll.u32 s28, $0x7  }
0xca: {  	(v2sf) =	vpush v1, $0x1;
	s25 =	sadd.s32 s25, s3;
	s24 =	sand.u32 $0x380, s24  }
0xcb: {  	s30 =	sadd.s32 $0x3480, s23;
	s24 =	sadd.s32 s24, s25  }
0xcc: {  	[tilespmem:s30], [sflag:$0x1] =	stream.linear.gather [spmem:s24], $0x80, $0x38;
	[tilespmem:$0xCB00] =	vst v63  }
0xcd: {  	s31 =	sadd.s32 $0x3880, s23;
	s25 =	sadd.s32 $0x400, s24  }
0xce: {  	[tilespmem:s31], [sflag:$0x1] =	stream.linear.gather [spmem:s25], $0x80, $0x38;
	[tilespmem:$0xCB00] =	vst v63  }
0xcf: {  	s29 =	sadd.s32 $0x3C80, s23;
	s28 =	sadd.s32 $0x800, s24;
	s31 =	spop (v2sf)  }
0xd0: {  	[tilespmem:s29], [sflag:$0x1] =	stream.linear.gather [spmem:s28], $0x80, $0x38;
	[tilespmem:$0xCB00] =	vst v63  }
0xd1: {  	s24 =	sadd.s32 $0xC00, s24;
	s30 =	sadd.s32 $0x4080, s23;
	s26 =	sshll.u32 s31, $0x9  }
0xd2: {  	[tilespmem:s30], [sflag:$0x1] =	stream.linear.gather [spmem:s24], $0x80, $0x38;
	[tilespmem:$0xCB00] =	vst v63  }
0xd3: {  	s25 =	sand.u32 $0x3000, s26;
	s24 =	sshll.u32 s31, $0x7  }
0xd4: {  	(v2sf) =	vpush v1, $0x2;
	s25 =	sadd.s32 s25, s5;
	s24 =	sand.u32 $0x380, s24  }
0xd5: {  	s28 =	sor.u32 $0x1100, s23;
	s24 =	sadd.s32 s24, s25  }
0xd6: {  	[tilespmem:s28], [sflag:$0x1] =	stream.linear.gather [spmem:s24], $0x80, $0x38;
	[tilespmem:$0xCB00] =	vst v63  }
0xd7: {  	s29 =	sor.u32 $0x1500, s23;
	s25 =	sadd.s32 $0x400, s24  }
0xd8: {  	[tilespmem:s29], [sflag:$0x1] =	stream.linear.gather [spmem:s25], $0x80, $0x38;
	[tilespmem:$0xCB00] =	vst v63  }
0xd9: {  	s31 =	sor.u32 $0x1900, s23;
	s30 =	sadd.s32 $0x800, s24;
	s28 =	spop (v2sf)  }
0xda: {  	[tilespmem:s31], [sflag:$0x1] =	stream.linear.gather [spmem:s30], $0x80, $0x38;
	[tilespmem:$0xCB00] =	vst v63  }
0xdb: {  	s26 =	sor.u32 $0x1D00, s23;
	s24 =	sadd.s32 $0xC00, s24;
	s29 =	sshll.u32 s28, $0x9  }
0xdc: {  	[tilespmem:s26], [sflag:$0x1] =	stream.linear.gather [spmem:s24], $0x80, $0x38;
	[tilespmem:$0xCB00] =	vst v63  }
0xdd: {  	s25 =	sand.u32 $0x3000, s29;
	s24 =	sshll.u32 s28, $0x7  }
0xde: {  	(v2sf) =	vpush v1, $0x3;
	s25 =	sadd.s32 s25, s5;
	s24 =	sand.u32 $0x380, s24  }
0xdf: {  	s30 =	sor.u32 $0x1180, s23;
	s24 =	sadd.s32 s24, s25  }
0xe0: {  	[tilespmem:s30], [sflag:$0x1] =	stream.linear.gather [spmem:s24], $0x80, $0x38;
	[tilespmem:$0xCB00] =	vst v63  }
0xe1: {  	s31 =	sor.u32 $0x1580, s23;
	s25 =	sadd.s32 $0x400, s24  }
0xe2: {  	[tilespmem:s31], [sflag:$0x1] =	stream.linear.gather [spmem:s25], $0x80, $0x38;
	[tilespmem:$0xCB00] =	vst v63  }
0xe3: {  	s29 =	sor.u32 $0x1980, s23;
	s28 =	sadd.s32 $0x800, s24;
	s31 =	spop (v2sf)  }
0xe4: {  	[tilespmem:s29], [sflag:$0x1] =	stream.linear.gather [spmem:s28], $0x80, $0x38;
	[tilespmem:$0xCB00] =	vst v63  }
0xe5: {  	s24 =	sadd.s32 $0xC00, s24;
	s30 =	sor.u32 $0x1D80, s23;
	s26 =	sshll.u32 s31, $0x9  }
0xe6: {  	[tilespmem:s30], [sflag:$0x1] =	stream.linear.gather [spmem:s24], $0x80, $0x38;
	[tilespmem:$0xCB00] =	vst v63  }
0xe7: {  	s25 =	sand.u32 $0x3000, s26;
	s24 =	sshll.u32 s31, $0x7  }
0xe8: {  	(v2sf) =	vpush v1, $0x4;
	s25 =	sadd.s32 s25, s5;
	s24 =	sand.u32 $0x380, s24  }
0xe9: {  	s28 =	sor.u32 $0x1200, s23;
	s24 =	sadd.s32 s24, s25  }
0xea: {  	[tilespmem:s28], [sflag:$0x1] =	stream.linear.gather [spmem:s24], $0x80, $0x38;
	[tilespmem:$0xCB00] =	vst v63  }
0xeb: {  	s29 =	sor.u32 $0x1600, s23;
	s25 =	sadd.s32 $0x400, s24  }
0xec: {  	[tilespmem:s29], [sflag:$0x1] =	stream.linear.gather [spmem:s25], $0x80, $0x38;
	[tilespmem:$0xCB00] =	vst v63  }
0xed: {  	s31 =	sor.u32 $0x1A00, s23;
	s30 =	sadd.s32 $0x800, s24;
	s28 =	spop (v2sf)  }
0xee: {  	[tilespmem:s31], [sflag:$0x1] =	stream.linear.gather [spmem:s30], $0x80, $0x38;
	[tilespmem:$0xCB00] =	vst v63  }
0xef: {  	s26 =	sor.u32 $0x1E00, s23;
	s24 =	sadd.s32 $0xC00, s24;
	s29 =	sshll.u32 s28, $0x9  }
0xf0: {  	[tilespmem:s26], [sflag:$0x1] =	stream.linear.gather [spmem:s24], $0x80, $0x38;
	[tilespmem:$0xCB00] =	vst v63  }
0xf1: {  	s25 =	sand.u32 $0x3000, s29;
	s24 =	sshll.u32 s28, $0x7  }
0xf2: {  	(v2sf) =	vpush v1, $0x5;
	s25 =	sadd.s32 s25, s5;
	s24 =	sand.u32 $0x380, s24  }
0xf3: {  	s30 =	sor.u32 $0x1280, s23;
	s24 =	sadd.s32 s24, s25  }
0xf4: {  	[tilespmem:s30], [sflag:$0x1] =	stream.linear.gather [spmem:s24], $0x80, $0x38;
	[tilespmem:$0xCB00] =	vst v63  }
0xf5: {  	s31 =	sor.u32 $0x1680, s23;
	s25 =	sadd.s32 $0x400, s24  }
0xf6: {  	[tilespmem:s31], [sflag:$0x1] =	stream.linear.gather [spmem:s25], $0x80, $0x38;
	[tilespmem:$0xCB00] =	vst v63  }
0xf7: {  	s29 =	sor.u32 $0x1A80, s23;
	s28 =	sadd.s32 $0x800, s24;
	s31 =	spop (v2sf)  }
0xf8: {  	[tilespmem:s29], [sflag:$0x1] =	stream.linear.gather [spmem:s28], $0x80, $0x38;
	[tilespmem:$0xCB00] =	vst v63  }
0xf9: {  	s24 =	sadd.s32 $0xC00, s24;
	s30 =	sor.u32 $0x1E80, s23;
	s26 =	sshll.u32 s31, $0x9  }
0xfa: {  	[tilespmem:s30], [sflag:$0x1] =	stream.linear.gather [spmem:s24], $0x80, $0x38;
	[tilespmem:$0xCB00] =	vst v63  }
0xfb: {  	s25 =	sand.u32 $0x3000, s26;
	s24 =	sshll.u32 s31, $0x7  }
0xfc: {  	(v2sf) =	vpush v1, $0x6;
	s25 =	sadd.s32 s25, s5;
	s24 =	sand.u32 $0x380, s24  }
0xfd: {  	s28 =	sor.u32 $0x1300, s23;
	s24 =	sadd.s32 s24, s25  }
0xfe: {  	[tilespmem:s28], [sflag:$0x1] =	stream.linear.gather [spmem:s24], $0x80, $0x38;
	[tilespmem:$0xCB00] =	vst v63  }
0xff: {  	s29 =	sor.u32 $0x1700, s23;
	s25 =	sadd.s32 $0x400, s24  }
0x100: {  	[tilespmem:s29], [sflag:$0x1] =	stream.linear.gather [spmem:s25], $0x80, $0x38;
	[tilespmem:$0xCB00] =	vst v63  }
0x101: {  	s31 =	sor.u32 $0x1B00, s23;
	s30 =	sadd.s32 $0x800, s24;
	s28 =	spop (v2sf)  }
0x102: {  	[tilespmem:s31], [sflag:$0x1] =	stream.linear.gather [spmem:s30], $0x80, $0x38;
	[tilespmem:$0xCB00] =	vst v63  }
0x103: {  	s26 =	sor.u32 $0x1F00, s23;
	s24 =	sadd.s32 $0xC00, s24;
	s29 =	sshll.u32 s28, $0x9  }
0x104: {  	[tilespmem:s26], [sflag:$0x1] =	stream.linear.gather [spmem:s24], $0x80, $0x38;
	[tilespmem:$0xCB00] =	vst v63  }
0x105: {  	s25 =	sand.u32 $0x3000, s29;
	s24 =	sshll.u32 s28, $0x7  }
0x106: {  	(v2sf) =	vpush v1, $0x7;
	s25 =	sadd.s32 s25, s5;
	s24 =	sand.u32 $0x380, s24  }
0x107: {  	s30 =	sor.u32 $0x1380, s23;
	s24 =	sadd.s32 s24, s25  }
0x108: {  	[tilespmem:s30], [sflag:$0x1] =	stream.linear.gather [spmem:s24], $0x80, $0x38;
	[tilespmem:$0xCB00] =	vst v63  }
0x109: {  	s31 =	sor.u32 $0x1780, s23;
	s25 =	sadd.s32 $0x400, s24  }
0x10a: {  	[tilespmem:s31], [sflag:$0x1] =	stream.linear.gather [spmem:s25], $0x80, $0x38;
	[tilespmem:$0xCB00] =	vst v63  }
0x10b: {  	s29 =	sor.u32 $0x1B80, s23;
	s28 =	sadd.s32 $0x800, s24;
	s31 =	spop (v2sf)  }
0x10c: {  	[tilespmem:s29], [sflag:$0x1] =	stream.linear.gather [spmem:s28], $0x80, $0x38;
	[tilespmem:$0xCB00] =	vst v63  }
0x10d: {  	s24 =	sadd.s32 $0xC00, s24;
	s30 =	sor.u32 $0x1F80, s23;
	s26 =	sshll.u32 s31, $0x9  }
0x10e: {  	[tilespmem:s30], [sflag:$0x1] =	stream.linear.gather [spmem:s24], $0x80, $0x38;
	[tilespmem:$0xCB00] =	vst v63  }
0x10f: {  	s25 =	sand.u32 $0x3000, s26;
	s24 =	sshll.u32 s31, $0x7  }
0x110: {  	(v2sf) =	vpush v1, $0x8;
	s25 =	sadd.s32 s25, s5;
	s24 =	sand.u32 $0x380, s24  }
0x111: {  	s28 =	sor.u32 $0x1400, s23;
	s24 =	sadd.s32 s24, s25  }
0x112: {  	[tilespmem:s28], [sflag:$0x1] =	stream.linear.gather [spmem:s24], $0x80, $0x38;
	[tilespmem:$0xCB00] =	vst v63  }
0x113: {  	s29 =	sor.u32 $0x1800, s23;
	s25 =	sadd.s32 $0x400, s24  }
0x114: {  	[tilespmem:s29], [sflag:$0x1] =	stream.linear.gather [spmem:s25], $0x80, $0x38;
	[tilespmem:$0xCB00] =	vst v63  }
0x115: {  	s31 =	sor.u32 $0x1C00, s23;
	s30 =	sadd.s32 $0x800, s24;
	s28 =	spop (v2sf)  }
0x116: {  	[tilespmem:s31], [sflag:$0x1] =	stream.linear.gather [spmem:s30], $0x80, $0x38;
	[tilespmem:$0xCB00] =	vst v63  }
0x117: {  	s26 =	sadd.s32 $0x2000, s23;
	s24 =	sadd.s32 $0xC00, s24;
	s29 =	sshll.u32 s28, $0x9  }
0x118: {  	[tilespmem:s26], [sflag:$0x1] =	stream.linear.gather [spmem:s24], $0x80, $0x38;
	[tilespmem:$0xCB00] =	vst v63  }
0x119: {  	s25 =	sand.u32 $0x3000, s29;
	s24 =	sshll.u32 s28, $0x7  }
0x11a: {  	(v2sf) =	vpush v1, $0x9;
	s25 =	sadd.s32 s25, s5;
	s24 =	sand.u32 $0x380, s24  }
0x11b: {  	s30 =	sor.u32 $0x1480, s23;
	s24 =	sadd.s32 s24, s25  }
0x11c: {  	[tilespmem:s30], [sflag:$0x1] =	stream.linear.gather [spmem:s24], $0x80, $0x38;
	[tilespmem:$0xCB00] =	vst v63  }
0x11d: {  	s31 =	sor.u32 $0x1880, s23;
	s25 =	sadd.s32 $0x400, s24  }
0x11e: {  	[tilespmem:s31], [sflag:$0x1] =	stream.linear.gather [spmem:s25], $0x80, $0x38;
	[tilespmem:$0xCB00] =	vst v63  }
0x11f: {  	s29 =	sor.u32 $0x1C80, s23;
	s28 =	sadd.s32 $0x800, s24;
	s31 =	spop (v2sf)  }
0x120: {  	[tilespmem:s29], [sflag:$0x1] =	stream.linear.gather [spmem:s28], $0x80, $0x38;
	[tilespmem:$0xCB00] =	vst v63  }
0x121: {  	s24 =	sadd.s32 $0xC00, s24;
	s30 =	sadd.s32 $0x2080, s23;
	s26 =	sshll.u32 s31, $0x9  }
0x122: {  	[tilespmem:s30], [sflag:$0x1] =	stream.linear.gather [spmem:s24], $0x80, $0x38;
	[tilespmem:$0xCB00] =	vst v63  }
0x123: {  	s25 =	sand.u32 $0x3000, s26;
	s24 =	sshll.u32 s31, $0x7  }
0x124: {  	(v2sf) =	vpush v1, $0xA;
	s25 =	sadd.s32 s25, s5;
	s24 =	sand.u32 $0x380, s24  }
0x125: {  	s28 =	sadd.s32 $0x4100, s23;
	s24 =	sadd.s32 s24, s25  }
0x126: {  	[tilespmem:s28], [sflag:$0x1] =	stream.linear.gather [spmem:s24], $0x80, $0x38;
	[tilespmem:$0xCB00] =	vst v63  }
0x127: {  	s29 =	sadd.s32 $0x4500, s23;
	s25 =	sadd.s32 $0x400, s24  }
0x128: {  	[tilespmem:s29], [sflag:$0x1] =	stream.linear.gather [spmem:s25], $0x80, $0x38;
	[tilespmem:$0xCB00] =	vst v63  }
0x129: {  	s31 =	sadd.s32 $0x4900, s23;
	s30 =	sadd.s32 $0x800, s24;
	s28 =	spop (v2sf)  }
0x12a: {  	[tilespmem:s31], [sflag:$0x1] =	stream.linear.gather [spmem:s30], $0x80, $0x38;
	[tilespmem:$0xCB00] =	vst v63  }
0x12b: {  	s26 =	sadd.s32 $0x4D00, s23;
	s24 =	sadd.s32 $0xC00, s24;
	s29 =	sshll.u32 s28, $0x9  }
0x12c: {  	[tilespmem:s26], [sflag:$0x1] =	stream.linear.gather [spmem:s24], $0x80, $0x38;
	[tilespmem:$0xCB00] =	vst v63  }
0x12d: {  	s25 =	sand.u32 $0x3000, s29;
	s24 =	sshll.u32 s28, $0x7  }
0x12e: {  	(v2sf) =	vpush v1, $0xB;
	s25 =	sadd.s32 s25, s5;
	s24 =	sand.u32 $0x380, s24  }
0x12f: {  	s30 =	sadd.s32 $0x4180, s23;
	s24 =	sadd.s32 s24, s25  }
0x130: {  	[tilespmem:s30], [sflag:$0x1] =	stream.linear.gather [spmem:s24], $0x80, $0x38;
	[tilespmem:$0xCB00] =	vst v63  }
0x131: {  	s31 =	sadd.s32 $0x4580, s23;
	s25 =	sadd.s32 $0x400, s24  }
0x132: {  	[tilespmem:s31], [sflag:$0x1] =	stream.linear.gather [spmem:s25], $0x80, $0x38;
	[tilespmem:$0xCB00] =	vst v63  }
0x133: {  	s29 =	sadd.s32 $0x4980, s23;
	s28 =	sadd.s32 $0x800, s24;
	s31 =	spop (v2sf)  }
0x134: {  	[tilespmem:s29], [sflag:$0x1] =	stream.linear.gather [spmem:s28], $0x80, $0x38;
	[tilespmem:$0xCB00] =	vst v63  }
0x135: {  	s24 =	sadd.s32 $0xC00, s24;
	s30 =	sadd.s32 $0x4D80, s23;
	s26 =	sshll.u32 s31, $0x9  }
0x136: {  	[tilespmem:s30], [sflag:$0x1] =	stream.linear.gather [spmem:s24], $0x80, $0x38;
	[tilespmem:$0xCB00] =	vst v63  }
0x137: {  	s25 =	sand.u32 $0x3000, s26;
	s24 =	sshll.u32 s31, $0x7  }
0x138: {  	(v2sf) =	vpush v1, $0xC;
	s25 =	sadd.s32 s25, s5;
	s24 =	sand.u32 $0x380, s24  }
0x139: {  	s28 =	sadd.s32 $0x4200, s23;
	s24 =	sadd.s32 s24, s25  }
0x13a: {  	[tilespmem:s28], [sflag:$0x1] =	stream.linear.gather [spmem:s24], $0x80, $0x38;
	[tilespmem:$0xCB00] =	vst v63  }
0x13b: {  	s29 =	sadd.s32 $0x4600, s23;
	s25 =	sadd.s32 $0x400, s24  }
0x13c: {  	[tilespmem:s29], [sflag:$0x1] =	stream.linear.gather [spmem:s25], $0x80, $0x38;
	[tilespmem:$0xCB00] =	vst v63  }
0x13d: {  	s31 =	sadd.s32 $0x4A00, s23;
	s30 =	sadd.s32 $0x800, s24;
	s28 =	spop (v2sf)  }
0x13e: {  	[tilespmem:s31], [sflag:$0x1] =	stream.linear.gather [spmem:s30], $0x80, $0x38;
	[tilespmem:$0xCB00] =	vst v63  }
0x13f: {  	s26 =	sadd.s32 $0x4E00, s23;
	s24 =	sadd.s32 $0xC00, s24;
	s29 =	sshll.u32 s28, $0x9  }
0x140: {  	[tilespmem:s26], [sflag:$0x1] =	stream.linear.gather [spmem:s24], $0x80, $0x38;
	[tilespmem:$0xCB00] =	vst v63  }
0x141: {  	s25 =	sand.u32 $0x3000, s29;
	s24 =	sshll.u32 s28, $0x7  }
0x142: {  	(v2sf) =	vpush v1, $0xD;
	s25 =	sadd.s32 s25, s5;
	s24 =	sand.u32 $0x380, s24  }
0x143: {  	s30 =	sadd.s32 $0x4280, s23;
	s24 =	sadd.s32 s24, s25  }
0x144: {  	[tilespmem:s30], [sflag:$0x1] =	stream.linear.gather [spmem:s24], $0x80, $0x38;
	[tilespmem:$0xCB00] =	vst v63  }
0x145: {  	s31 =	sadd.s32 $0x4680, s23;
	s25 =	sadd.s32 $0x400, s24  }
0x146: {  	[tilespmem:s31], [sflag:$0x1] =	stream.linear.gather [spmem:s25], $0x80, $0x38;
	[tilespmem:$0xCB00] =	vst v63  }
0x147: {  	s29 =	sadd.s32 $0x4A80, s23;
	s28 =	sadd.s32 $0x800, s24;
	s31 =	spop (v2sf)  }
0x148: {  	[tilespmem:s29], [sflag:$0x1] =	stream.linear.gather [spmem:s28], $0x80, $0x38;
	[tilespmem:$0xCB00] =	vst v63  }
0x149: {  	s24 =	sadd.s32 $0xC00, s24;
	s30 =	sadd.s32 $0x4E80, s23;
	s26 =	sshll.u32 s31, $0x9  }
0x14a: {  	[tilespmem:s30], [sflag:$0x1] =	stream.linear.gather [spmem:s24], $0x80, $0x38;
	[tilespmem:$0xCB00] =	vst v63  }
0x14b: {  	s25 =	sand.u32 $0x3000, s26;
	s24 =	sshll.u32 s31, $0x7  }
0x14c: {  	(v2sf) =	vpush v1, $0xE;
	s25 =	sadd.s32 s25, s5;
	s24 =	sand.u32 $0x380, s24  }
0x14d: {  	s28 =	sadd.s32 $0x4300, s23;
	s24 =	sadd.s32 s24, s25  }
0x14e: {  	[tilespmem:s28], [sflag:$0x1] =	stream.linear.gather [spmem:s24], $0x80, $0x38;
	[tilespmem:$0xCB00] =	vst v63  }
0x14f: {  	s29 =	sadd.s32 $0x4700, s23;
	s25 =	sadd.s32 $0x400, s24  }
0x150: {  	[tilespmem:s29], [sflag:$0x1] =	stream.linear.gather [spmem:s25], $0x80, $0x38;
	[tilespmem:$0xCB00] =	vst v63  }
0x151: {  	s31 =	sadd.s32 $0x4B00, s23;
	s30 =	sadd.s32 $0x800, s24;
	s28 =	spop (v2sf)  }
0x152: {  	[tilespmem:s31], [sflag:$0x1] =	stream.linear.gather [spmem:s30], $0x80, $0x38;
	[tilespmem:$0xCB00] =	vst v63  }
0x153: {  	s26 =	sadd.s32 $0x4F00, s23;
	s24 =	sadd.s32 $0xC00, s24;
	s29 =	sshll.u32 s28, $0x9  }
0x154: {  	[tilespmem:s26], [sflag:$0x1] =	stream.linear.gather [spmem:s24], $0x80, $0x38;
	[tilespmem:$0xCB00] =	vst v63  }
0x155: {  	s25 =	sand.u32 $0x3000, s29;
	s24 =	sshll.u32 s28, $0x7  }
0x156: {  	(v2sf) =	vpush v1, $0xF;
	s25 =	sadd.s32 s25, s5;
	s24 =	sand.u32 $0x380, s24  }
0x157: {  	s30 =	sadd.s32 $0x4380, s23;
	s24 =	sadd.s32 s24, s25  }
0x158: {  	[tilespmem:s30], [sflag:$0x1] =	stream.linear.gather [spmem:s24], $0x80, $0x38;
	[tilespmem:$0xCB00] =	vst v63  }
0x159: {  	s31 =	sadd.s32 $0x4780, s23;
	s25 =	sadd.s32 $0x400, s24  }
0x15a: {  	[tilespmem:s31], [sflag:$0x1] =	stream.linear.gather [spmem:s25], $0x80, $0x38;
	[tilespmem:$0xCB00] =	vst v63  }
0x15b: {  	s29 =	sadd.s32 $0x4B80, s23;
	s28 =	sadd.s32 $0x800, s24;
	s31 =	spop (v2sf)  }
0x15c: {  	[tilespmem:s29], [sflag:$0x1] =	stream.linear.gather [spmem:s28], $0x80, $0x38;
	[tilespmem:$0xCB00] =	vst v63  }
0x15d: {  	s24 =	sadd.s32 $0xC00, s24;
	s30 =	sadd.s32 $0x4F80, s23;
	s26 =	sshll.u32 s31, $0x9  }
0x15e: {  	[tilespmem:s30], [sflag:$0x1] =	stream.linear.gather [spmem:s24], $0x80, $0x38;
	[tilespmem:$0xCB00] =	vst v63  }
0x15f: {  	v0 =	vand.u32 $0x1F, v0;
	s25 =	sand.u32 $0x3000, s26;
	s24 =	sshll.u32 s31, $0x7  }
0x160: {  	(v2sf) =	vpush v0, $0x0;
	s25 =	sadd.s32 s25, s5;
	s24 =	sand.u32 $0x380, s24  }
0x161: {  	s28 =	sadd.s32 $0x4400, s23;
	s24 =	sadd.s32 s24, s25  }
0x162: {  	[tilespmem:s28], [sflag:$0x1] =	stream.linear.gather [spmem:s24], $0x80, $0x38;
	[tilespmem:$0xCB00] =	vst v63  }
0x163: {  	s29 =	sadd.s32 $0x4800, s23;
	s25 =	sadd.s32 $0x400, s24  }
0x164: {  	[tilespmem:s29], [sflag:$0x1] =	stream.linear.gather [spmem:s25], $0x80, $0x38;
	[tilespmem:$0xCB00] =	vst v63  }
0x165: {  	s31 =	sadd.s32 $0x4C00, s23;
	s30 =	sadd.s32 $0x800, s24;
	s28 =	spop (v2sf)  }
0x166: {  	[tilespmem:s31], [sflag:$0x1] =	stream.linear.gather [spmem:s30], $0x80, $0x38;
	[tilespmem:$0xCB00] =	vst v63  }
0x167: {  	s26 =	sadd.s32 $0x5000, s23;
	s24 =	sadd.s32 $0xC00, s24;
	s29 =	sshll.u32 s28, $0x9  }
0x168: {  	[tilespmem:s26], [sflag:$0x1] =	stream.linear.gather [spmem:s24], $0x80, $0x38;
	[tilespmem:$0xCB00] =	vst v63  }
0x169: {  	s25 =	sand.u32 $0x3000, s29;
	s24 =	sshll.u32 s28, $0x7  }
0x16a: {  	(v2sf) =	vpush v0, $0x1;
	s25 =	sadd.s32 s25, s5;
	s24 =	sand.u32 $0x380, s24  }
0x16b: {  	s30 =	sadd.s32 $0x4480, s23;
	s24 =	sadd.s32 s24, s25  }
0x16c: {  	[tilespmem:s30], [sflag:$0x1] =	stream.linear.gather [spmem:s24], $0x80, $0x38;
	[tilespmem:$0xCB00] =	vst v63  }
0x16d: {  	s31 =	sadd.s32 $0x4880, s23;
	s25 =	sadd.s32 $0x400, s24  }
0x16e: {  	[tilespmem:s31], [sflag:$0x1] =	stream.linear.gather [spmem:s25], $0x80, $0x38;
	[tilespmem:$0xCB00] =	vst v63  }
0x16f: {  	s29 =	sadd.s32 $0x4C80, s23;
	s28 =	sadd.s32 $0x800, s24;
	s31 =	spop (v2sf)  }
0x170: {  	[tilespmem:s29], [sflag:$0x1] =	stream.linear.gather [spmem:s28], $0x80, $0x38;
	[tilespmem:$0xCB00] =	vst v63  }
0x171: {  	s24 =	sadd.s32 $0xC00, s24;
	s30 =	sadd.s32 $0x5080, s23;
	s26 =	sshll.u32 s31, $0x9  }
0x172: {  	[tilespmem:s30], [sflag:$0x1] =	stream.linear.gather [spmem:s24], $0x80, $0x38;
	[tilespmem:$0xCB00] =	vst v63  }
0x173: {  	s25 =	sand.u32 $0x3000, s26;
	s24 =	sshll.u32 s31, $0x7  }
0x174: {  	(v2sf) =	vpush v0, $0x2;
	s25 =	sadd.s32 s25, s6;
	s24 =	sand.u32 $0x380, s24  }
0x175: {  	s28 =	sadd.s32 $0x2100, s23;
	s24 =	sadd.s32 s24, s25  }
0x176: {  	[tilespmem:s28], [sflag:$0x1] =	stream.linear.gather [spmem:s24], $0x80, $0x38;
	[tilespmem:$0xCB00] =	vst v63  }
0x177: {  	s29 =	sadd.s32 $0x2500, s23;
	s25 =	sadd.s32 $0x400, s24  }
0x178: {  	[tilespmem:s29], [sflag:$0x1] =	stream.linear.gather [spmem:s25], $0x80, $0x38;
	[tilespmem:$0xCB00] =	vst v63  }
0x179: {  	s31 =	sadd.s32 $0x2900, s23;
	s30 =	sadd.s32 $0x800, s24;
	s28 =	spop (v2sf)  }
0x17a: {  	[tilespmem:s31], [sflag:$0x1] =	stream.linear.gather [spmem:s30], $0x80, $0x38;
	[tilespmem:$0xCB00] =	vst v63  }
0x17b: {  	s26 =	sadd.s32 $0x2D00, s23;
	s24 =	sadd.s32 $0xC00, s24;
	s29 =	sshll.u32 s28, $0x9  }
0x17c: {  	[tilespmem:s26], [sflag:$0x1] =	stream.linear.gather [spmem:s24], $0x80, $0x38;
	[tilespmem:$0xCB00] =	vst v63  }
0x17d: {  	s25 =	sand.u32 $0x3000, s29;
	s24 =	sshll.u32 s28, $0x7  }
0x17e: {  	(v2sf) =	vpush v0, $0x3;
	s25 =	sadd.s32 s25, s6;
	s24 =	sand.u32 $0x380, s24  }
0x17f: {  	s30 =	sadd.s32 $0x2180, s23;
	s24 =	sadd.s32 s24, s25  }
0x180: {  	[tilespmem:s30], [sflag:$0x1] =	stream.linear.gather [spmem:s24], $0x80, $0x38;
	[tilespmem:$0xCB00] =	vst v63  }
0x181: {  	s31 =	sadd.s32 $0x2580, s23;
	s25 =	sadd.s32 $0x400, s24  }
0x182: {  	[tilespmem:s31], [sflag:$0x1] =	stream.linear.gather [spmem:s25], $0x80, $0x38;
	[tilespmem:$0xCB00] =	vst v63  }
0x183: {  	s29 =	sadd.s32 $0x2980, s23;
	s28 =	sadd.s32 $0x800, s24;
	s31 =	spop (v2sf)  }
0x184: {  	[tilespmem:s29], [sflag:$0x1] =	stream.linear.gather [spmem:s28], $0x80, $0x38;
	[tilespmem:$0xCB00] =	vst v63  }
0x185: {  	s24 =	sadd.s32 $0xC00, s24;
	s30 =	sadd.s32 $0x2D80, s23;
	s26 =	sshll.u32 s31, $0x9  }
0x186: {  	[tilespmem:s30], [sflag:$0x1] =	stream.linear.gather [spmem:s24], $0x80, $0x38;
	[tilespmem:$0xCB00] =	vst v63  }
0x187: {  	s25 =	sand.u32 $0x3000, s26;
	s24 =	sshll.u32 s31, $0x7  }
0x188: {  	(v2sf) =	vpush v0, $0x4;
	s25 =	sadd.s32 s25, s6;
	s24 =	sand.u32 $0x380, s24  }
0x189: {  	s28 =	sadd.s32 $0x2200, s23;
	s24 =	sadd.s32 s24, s25  }
0x18a: {  	[tilespmem:s28], [sflag:$0x1] =	stream.linear.gather [spmem:s24], $0x80, $0x38;
	[tilespmem:$0xCB00] =	vst v63  }
0x18b: {  	s29 =	sadd.s32 $0x2600, s23;
	s25 =	sadd.s32 $0x400, s24  }
0x18c: {  	[tilespmem:s29], [sflag:$0x1] =	stream.linear.gather [spmem:s25], $0x80, $0x38;
	[tilespmem:$0xCB00] =	vst v63  }
0x18d: {  	s31 =	sadd.s32 $0x2A00, s23;
	s30 =	sadd.s32 $0x800, s24;
	s28 =	spop (v2sf)  }
0x18e: {  	[tilespmem:s31], [sflag:$0x1] =	stream.linear.gather [spmem:s30], $0x80, $0x38;
	[tilespmem:$0xCB00] =	vst v63  }
0x18f: {  	s26 =	sadd.s32 $0x2E00, s23;
	s24 =	sadd.s32 $0xC00, s24;
	s29 =	sshll.u32 s28, $0x9  }
0x190: {  	[tilespmem:s26], [sflag:$0x1] =	stream.linear.gather [spmem:s24], $0x80, $0x38;
	[tilespmem:$0xCB00] =	vst v63  }
0x191: {  	s25 =	sand.u32 $0x3000, s29;
	s24 =	sshll.u32 s28, $0x7  }
0x192: {  	(v2sf) =	vpush v0, $0x5;
	s25 =	sadd.s32 s25, s6;
	s24 =	sand.u32 $0x380, s24  }
0x193: {  	s30 =	sadd.s32 $0x2280, s23;
	s24 =	sadd.s32 s24, s25  }
0x194: {  	[tilespmem:s30], [sflag:$0x1] =	stream.linear.gather [spmem:s24], $0x80, $0x38;
	[tilespmem:$0xCB00] =	vst v63  }
0x195: {  	s31 =	sadd.s32 $0x2680, s23;
	s25 =	sadd.s32 $0x400, s24  }
0x196: {  	[tilespmem:s31], [sflag:$0x1] =	stream.linear.gather [spmem:s25], $0x80, $0x38;
	[tilespmem:$0xCB00] =	vst v63  }
0x197: {  	s29 =	sadd.s32 $0x2A80, s23;
	s28 =	sadd.s32 $0x800, s24;
	s31 =	spop (v2sf)  }
0x198: {  	[tilespmem:s29], [sflag:$0x1] =	stream.linear.gather [spmem:s28], $0x80, $0x38;
	[tilespmem:$0xCB00] =	vst v63  }
0x199: {  	s24 =	sadd.s32 $0xC00, s24;
	s30 =	sadd.s32 $0x2E80, s23;
	s26 =	sshll.u32 s31, $0x9  }
0x19a: {  	[tilespmem:s30], [sflag:$0x1] =	stream.linear.gather [spmem:s24], $0x80, $0x38;
	[tilespmem:$0xCB00] =	vst v63  }
0x19b: {  	s25 =	sand.u32 $0x3000, s26;
	s24 =	sshll.u32 s31, $0x7  }
0x19c: {  	(v2sf) =	vpush v0, $0x6;
	s25 =	sadd.s32 s25, s6;
	s24 =	sand.u32 $0x380, s24  }
0x19d: {  	s28 =	sadd.s32 $0x2300, s23;
	s24 =	sadd.s32 s24, s25  }
0x19e: {  	[tilespmem:s28], [sflag:$0x1] =	stream.linear.gather [spmem:s24], $0x80, $0x38;
	[tilespmem:$0xCB00] =	vst v63  }
0x19f: {  	s29 =	sadd.s32 $0x2700, s23;
	s25 =	sadd.s32 $0x400, s24  }
0x1a0: {  	[tilespmem:s29], [sflag:$0x1] =	stream.linear.gather [spmem:s25], $0x80, $0x38;
	[tilespmem:$0xCB00] =	vst v63  }
0x1a1: {  	s31 =	sadd.s32 $0x2B00, s23;
	s30 =	sadd.s32 $0x800, s24;
	s28 =	spop (v2sf)  }
0x1a2: {  	[tilespmem:s31], [sflag:$0x1] =	stream.linear.gather [spmem:s30], $0x80, $0x38;
	[tilespmem:$0xCB00] =	vst v63  }
0x1a3: {  	s26 =	sadd.s32 $0x2F00, s23;
	s24 =	sadd.s32 $0xC00, s24;
	s29 =	sshll.u32 s28, $0x9  }
0x1a4: {  	[tilespmem:s26], [sflag:$0x1] =	stream.linear.gather [spmem:s24], $0x80, $0x38;
	[tilespmem:$0xCB00] =	vst v63  }
0x1a5: {  	s25 =	sand.u32 $0x3000, s29;
	s24 =	sshll.u32 s28, $0x7  }
0x1a6: {  	(v2sf) =	vpush v0, $0x7;
	s25 =	sadd.s32 s25, s6;
	s24 =	sand.u32 $0x380, s24  }
0x1a7: {  	s30 =	sadd.s32 $0x2380, s23;
	s24 =	sadd.s32 s24, s25  }
0x1a8: {  	[tilespmem:s30], [sflag:$0x1] =	stream.linear.gather [spmem:s24], $0x80, $0x38;
	[tilespmem:$0xCB00] =	vst v63  }
0x1a9: {  	s31 =	sadd.s32 $0x2780, s23;
	s25 =	sadd.s32 $0x400, s24  }
0x1aa: {  	[tilespmem:s31], [sflag:$0x1] =	stream.linear.gather [spmem:s25], $0x80, $0x38;
	[tilespmem:$0xCB00] =	vst v63  }
0x1ab: {  	s29 =	sadd.s32 $0x2B80, s23;
	s28 =	sadd.s32 $0x800, s24;
	s31 =	spop (v2sf)  }
0x1ac: {  	[tilespmem:s29], [sflag:$0x1] =	stream.linear.gather [spmem:s28], $0x80, $0x38;
	[tilespmem:$0xCB00] =	vst v63  }
0x1ad: {  	s24 =	sadd.s32 $0xC00, s24;
	s30 =	sadd.s32 $0x2F80, s23;
	s26 =	sshll.u32 s31, $0x9  }
0x1ae: {  	[tilespmem:s30], [sflag:$0x1] =	stream.linear.gather [spmem:s24], $0x80, $0x38;
	[tilespmem:$0xCB00] =	vst v63  }
0x1af: {  	s25 =	sand.u32 $0x3000, s26;
	s24 =	sshll.u32 s31, $0x7  }
0x1b0: {  	(v2sf) =	vpush v0, $0x8;
	s25 =	sadd.s32 s25, s6;
	s24 =	sand.u32 $0x380, s24  }
0x1b1: {  	s28 =	sadd.s32 $0x2400, s23;
	s24 =	sadd.s32 s24, s25  }
0x1b2: {  	[tilespmem:s28], [sflag:$0x1] =	stream.linear.gather [spmem:s24], $0x80, $0x38;
	[tilespmem:$0xCB00] =	vst v63  }
0x1b3: {  	s29 =	sadd.s32 $0x2800, s23;
	s25 =	sadd.s32 $0x400, s24  }
0x1b4: {  	[tilespmem:s29], [sflag:$0x1] =	stream.linear.gather [spmem:s25], $0x80, $0x38;
	[tilespmem:$0xCB00] =	vst v63  }
0x1b5: {  	s31 =	sadd.s32 $0x2C00, s23;
	s30 =	sadd.s32 $0x800, s24;
	s28 =	spop (v2sf)  }
0x1b6: {  	[tilespmem:s31], [sflag:$0x1] =	stream.linear.gather [spmem:s30], $0x80, $0x38;
	[tilespmem:$0xCB00] =	vst v63  }
0x1b7: {  	s26 =	sadd.s32 $0x3000, s23;
	s24 =	sadd.s32 $0xC00, s24;
	s29 =	sshll.u32 s28, $0x9  }
0x1b8: {  	[tilespmem:s26], [sflag:$0x1] =	stream.linear.gather [spmem:s24], $0x80, $0x38;
	[tilespmem:$0xCB00] =	vst v63  }
0x1b9: {  	s25 =	sand.u32 $0x3000, s29;
	s24 =	sshll.u32 s28, $0x7  }
0x1ba: {  	(v2sf) =	vpush v0, $0x9;
	s25 =	sadd.s32 s25, s6;
	s24 =	sand.u32 $0x380, s24  }
0x1bb: {  	s30 =	sadd.s32 $0x2480, s23;
	s24 =	sadd.s32 s24, s25  }
0x1bc: {  	[tilespmem:s30], [sflag:$0x1] =	stream.linear.gather [spmem:s24], $0x80, $0x38;
	[tilespmem:$0xCB00] =	vst v63  }
0x1bd: {  	s31 =	sadd.s32 $0x2880, s23;
	s25 =	sadd.s32 $0x400, s24  }
0x1be: {  	[tilespmem:s31], [sflag:$0x1] =	stream.linear.gather [spmem:s25], $0x80, $0x38;
	[tilespmem:$0xCB00] =	vst v63  }
0x1bf: {  	s29 =	sadd.s32 $0x2C80, s23;
	s28 =	sadd.s32 $0x800, s24;
	s31 =	spop (v2sf)  }
0x1c0: {  	[tilespmem:s29], [sflag:$0x1] =	stream.linear.gather [spmem:s28], $0x80, $0x38;
	[tilespmem:$0xCB00] =	vst v63  }
0x1c1: {  	s24 =	sadd.s32 $0xC00, s24;
	s30 =	sadd.s32 $0x3080, s23;
	s26 =	sshll.u32 s31, $0x9  }
0x1c2: {  	[tilespmem:s30], [sflag:$0x1] =	stream.linear.gather [spmem:s24], $0x80, $0x38;
	[tilespmem:$0xCB00] =	vst v63  }
0x1c3: {  	s25 =	sand.u32 $0x3000, s26;
	s24 =	sshll.u32 s31, $0x7  }
0x1c4: {  	(v2sf) =	vpush v0, $0xA;
	s25 =	sadd.s32 s25, s6;
	s24 =	sand.u32 $0x380, s24  }
0x1c5: {  	s28 =	sadd.s32 $0x5100, s23;
	s24 =	sadd.s32 s24, s25  }
0x1c6: {  	[tilespmem:s28], [sflag:$0x1] =	stream.linear.gather [spmem:s24], $0x80, $0x38;
	[tilespmem:$0xCB00] =	vst v63  }
0x1c7: {  	s29 =	sadd.s32 $0x5500, s23;
	s25 =	sadd.s32 $0x400, s24  }
0x1c8: {  	[tilespmem:s29], [sflag:$0x1] =	stream.linear.gather [spmem:s25], $0x80, $0x38;
	[tilespmem:$0xCB00] =	vst v63  }
0x1c9: {  	s31 =	sadd.s32 $0x5900, s23;
	s30 =	sadd.s32 $0x800, s24;
	s28 =	spop (v2sf)  }
0x1ca: {  	[tilespmem:s31], [sflag:$0x1] =	stream.linear.gather [spmem:s30], $0x80, $0x38;
	[tilespmem:$0xCB00] =	vst v63  }
0x1cb: {  	s26 =	sadd.s32 $0x5D00, s23;
	s24 =	sadd.s32 $0xC00, s24;
	s29 =	sshll.u32 s28, $0x9  }
0x1cc: {  	[tilespmem:s26], [sflag:$0x1] =	stream.linear.gather [spmem:s24], $0x80, $0x38;
	[tilespmem:$0xCB00] =	vst v63  }
0x1cd: {  	s25 =	sand.u32 $0x3000, s29;
	s24 =	sshll.u32 s28, $0x7  }
0x1ce: {  	(v2sf) =	vpush v0, $0xB;
	s25 =	sadd.s32 s25, s6;
	s24 =	sand.u32 $0x380, s24  }
0x1cf: {  	s30 =	sadd.s32 $0x5180, s23;
	s24 =	sadd.s32 s24, s25  }
0x1d0: {  	[tilespmem:s30], [sflag:$0x1] =	stream.linear.gather [spmem:s24], $0x80, $0x38;
	[tilespmem:$0xCB00] =	vst v63  }
0x1d1: {  	s31 =	sadd.s32 $0x5580, s23;
	s25 =	sadd.s32 $0x400, s24  }
0x1d2: {  	[tilespmem:s31], [sflag:$0x1] =	stream.linear.gather [spmem:s25], $0x80, $0x38;
	[tilespmem:$0xCB00] =	vst v63  }
0x1d3: {  	s29 =	sadd.s32 $0x5980, s23;
	s28 =	sadd.s32 $0x800, s24;
	s31 =	spop (v2sf)  }
0x1d4: {  	[tilespmem:s29], [sflag:$0x1] =	stream.linear.gather [spmem:s28], $0x80, $0x38;
	[tilespmem:$0xCB00] =	vst v63  }
0x1d5: {  	s24 =	sadd.s32 $0xC00, s24;
	s30 =	sadd.s32 $0x5D80, s23;
	s26 =	sshll.u32 s31, $0x9  }
0x1d6: {  	[tilespmem:s30], [sflag:$0x1] =	stream.linear.gather [spmem:s24], $0x80, $0x38;
	[tilespmem:$0xCB00] =	vst v63  }
0x1d7: {  	s25 =	sand.u32 $0x3000, s26;
	s24 =	sshll.u32 s31, $0x7  }
0x1d8: {  	(v2sf) =	vpush v0, $0xC;
	s25 =	sadd.s32 s25, s6;
	s24 =	sand.u32 $0x380, s24  }
0x1d9: {  	s28 =	sadd.s32 $0x5200, s23;
	s24 =	sadd.s32 s24, s25  }
0x1da: {  	[tilespmem:s28], [sflag:$0x1] =	stream.linear.gather [spmem:s24], $0x80, $0x38;
	[tilespmem:$0xCB00] =	vst v63  }
0x1db: {  	s29 =	sadd.s32 $0x5600, s23;
	s25 =	sadd.s32 $0x400, s24  }
0x1dc: {  	[tilespmem:s29], [sflag:$0x1] =	stream.linear.gather [spmem:s25], $0x80, $0x38;
	[tilespmem:$0xCB00] =	vst v63  }
0x1dd: {  	s31 =	sadd.s32 $0x5A00, s23;
	s30 =	sadd.s32 $0x800, s24;
	s28 =	spop (v2sf)  }
0x1de: {  	[tilespmem:s31], [sflag:$0x1] =	stream.linear.gather [spmem:s30], $0x80, $0x38;
	[tilespmem:$0xCB00] =	vst v63  }
0x1df: {  	s26 =	sadd.s32 $0x5E00, s23;
	s24 =	sadd.s32 $0xC00, s24;
	s29 =	sshll.u32 s28, $0x9  }
0x1e0: {  	[tilespmem:s26], [sflag:$0x1] =	stream.linear.gather [spmem:s24], $0x80, $0x38;
	[tilespmem:$0xCB00] =	vst v63  }
0x1e1: {  	s25 =	sand.u32 $0x3000, s29;
	s24 =	sshll.u32 s28, $0x7  }
0x1e2: {  	(v2sf) =	vpush v0, $0xD;
	s25 =	sadd.s32 s25, s6;
	s24 =	sand.u32 $0x380, s24  }
0x1e3: {  	s30 =	sadd.s32 $0x5280, s23;
	s24 =	sadd.s32 s24, s25  }
0x1e4: {  	[tilespmem:s30], [sflag:$0x1] =	stream.linear.gather [spmem:s24], $0x80, $0x38;
	[tilespmem:$0xCB00] =	vst v63  }
0x1e5: {  	s31 =	sadd.s32 $0x5680, s23;
	s25 =	sadd.s32 $0x400, s24  }
0x1e6: {  	[tilespmem:s31], [sflag:$0x1] =	stream.linear.gather [spmem:s25], $0x80, $0x38;
	[tilespmem:$0xCB00] =	vst v63  }
0x1e7: {  	s29 =	sadd.s32 $0x5A80, s23;
	s28 =	sadd.s32 $0x800, s24;
	s31 =	spop (v2sf)  }
0x1e8: {  	[tilespmem:s29], [sflag:$0x1] =	stream.linear.gather [spmem:s28], $0x80, $0x38;
	[tilespmem:$0xCB00] =	vst v63  }
0x1e9: {  	s24 =	sadd.s32 $0xC00, s24;
	s30 =	sadd.s32 $0x5E80, s23;
	s26 =	sshll.u32 s31, $0x9  }
0x1ea: {  	[tilespmem:s30], [sflag:$0x1] =	stream.linear.gather [spmem:s24], $0x80, $0x38;
	[tilespmem:$0xCB00] =	vst v63  }
0x1eb: {  	s25 =	sand.u32 $0x3000, s26;
	s24 =	sshll.u32 s31, $0x7  }
0x1ec: {  	(v2sf) =	vpush v0, $0xE;
	s25 =	sadd.s32 s25, s6;
	s24 =	sand.u32 $0x380, s24  }
0x1ed: {  	s28 =	sadd.s32 $0x5300, s23;
	s24 =	sadd.s32 s24, s25  }
0x1ee: {  	[tilespmem:s28], [sflag:$0x1] =	stream.linear.gather [spmem:s24], $0x80, $0x38;
	[tilespmem:$0xCB00] =	vst v63  }
0x1ef: {  	s29 =	sadd.s32 $0x5700, s23;
	s25 =	sadd.s32 $0x400, s24  }
0x1f0: {  	[tilespmem:s29], [sflag:$0x1] =	stream.linear.gather [spmem:s25], $0x80, $0x38;
	[tilespmem:$0xCB00] =	vst v63  }
0x1f1: {  	s31 =	sadd.s32 $0x5B00, s23;
	s30 =	sadd.s32 $0x800, s24;
	s29 =	spop (v2sf)  }
0x1f2: {  	[tilespmem:s31], [sflag:$0x1] =	stream.linear.gather [spmem:s30], $0x80, $0x38;
	[tilespmem:$0xCB00] =	vst v63  }
0x1f3: {  	s24 =	sadd.s32 $0xC00, s24;
	s28 =	sadd.s32 $0x5F00, s23;
	s30 =	sshll.u32 s29, $0x9  }
0x1f4: {  	[tilespmem:s28], [sflag:$0x1] =	stream.linear.gather [spmem:s24], $0x80, $0x38;
	[tilespmem:$0xCB00] =	vst v63  }
0x1f5: {  	s25 =	sand.u32 $0x3000, s30;
	s24 =	sshll.u32 s29, $0x7  }
0x1f6: {  	(v2sf) =	vpush v0, $0xF;
	s25 =	sadd.s32 s25, s6;
	s24 =	sand.u32 $0x380, s24  }
0x1f7: {  	s31 =	sadd.s32 $0x5380, s23;
	s24 =	sadd.s32 s24, s25  }
0x1f8: {  	[tilespmem:s31], [sflag:$0x1] =	stream.linear.gather [spmem:s24], $0x80, $0x38;
	[tilespmem:$0xCB00] =	vst v63  }
0x1f9: {  	s28 =	sadd.s32 $0x5780, s23;
	s25 =	sadd.s32 $0x400, s24  }
0x1fa: {  	[tilespmem:s28], [sflag:$0x1] =	stream.linear.gather [spmem:s25], $0x80, $0x38;
	[tilespmem:$0xCB00] =	vst v63  }
0x1fb: {  	s30 =	sadd.s32 $0x5B80, s23;
	s29 =	sadd.s32 $0x800, s24;
	s31 =	spop (v2sf)  }
0x1fc: {  	[tilespmem:s30], [sflag:$0x1] =	stream.linear.gather [spmem:s29], $0x80, $0x38;
	[tilespmem:$0xCB00] =	vst v63  }
0x1fd: {  	s24 =	sadd.s32 $0xC00, s24;
	s28 =	sadd.s32 $0x5F80, s23;
	s29 =	sshll.u32 s31, $0x9  }
0x1fe: {  	[tilespmem:s28], [sflag:$0x1] =	stream.linear.gather [spmem:s24], $0x80, $0x38;
	[tilespmem:$0xCB00] =	vst v63  }
0x1ff: {  	s25 =	sshll.u32 s31, $0x7;
	s24 =	sand.u32 $0x3000, s29  }
0x200: {  	s25 =	sand.u32 $0x380, s25;
	s24 =	sadd.s32 s24, s6  }
0x201: {  	s30 =	sadd.s32 $0x5400, s23;
	s24 =	sadd.s32 s25, s24  }
0x202: {  	[tilespmem:s30], [sflag:$0x1] =	stream.linear.gather [spmem:s24], $0x80, $0x38;
	[tilespmem:$0xCB00] =	vst v63  }
0x203: {  	s31 =	sadd.s32 $0x5800, s23;
	s25 =	sadd.s32 $0x400, s24  }
0x204: {  	[tilespmem:s31], [sflag:$0x1] =	stream.linear.gather [spmem:s25], $0x80, $0x38;
	[tilespmem:$0xCB00] =	vst v63  }
0x205: {  	s29 =	sadd.s32 $0x5C00, s23;
	s28 =	sadd.s32 $0x800, s24;
	s31 =	spop (v2sf)  }
0x206: {  	[tilespmem:s29], [sflag:$0x1] =	stream.linear.gather [spmem:s28], $0x80, $0x38;
	[tilespmem:$0xCB00] =	vst v63  }
0x207: {  	s24 =	sadd.s32 $0xC00, s24;
	s30 =	sadd.s32 $0x6000, s23;
	s26 =	sshll.u32 s31, $0x9  }
0x208: {  	[tilespmem:s30], [sflag:$0x1] =	stream.linear.gather [spmem:s24], $0x80, $0x38;
	[tilespmem:$0xCB00] =	vst v63  }
0x209: {  	s25 =	sand.u32 $0x3000, s26;
	s24 =	sshll.u32 s31, $0x7  }
0x20a: {  	s25 =	sadd.s32 s25, s6;
	s24 =	sand.u32 $0x380, s24  }
0x20b: {  	s28 =	sadd.s32 $0x5480, s23;
	s24 =	sadd.s32 s24, s25  }
0x20c: {  	[tilespmem:s28], [sflag:$0x1] =	stream.linear.gather [spmem:s24], $0x80, $0x38;
	[tilespmem:$0xCB00] =	vst v63  }
0x20d: {  	s29 =	sadd.s32 $0x5880, s23;
	s25 =	sadd.s32 $0x400, s24  }
0x20e: {  	[tilespmem:s29], [sflag:$0x1] =	stream.linear.gather [spmem:s25], $0x80, $0x38;
	[tilespmem:$0xCB00] =	vst v63  }
0x20f: {  	s31 =	sadd.s32 $0x5C80, s23;
	s30 =	sadd.s32 $0x800, s24  }
0x210: {  	[tilespmem:s31], [sflag:$0x1] =	stream.linear.gather [spmem:s30], $0x80, $0x38;
	[tilespmem:$0xCB00] =	vst v63  }
0x211: {  	s23 =	sadd.s32 $0x6080, s23;
	s24 =	sadd.s32 $0xC00, s24  }
0x212: {  	[tilespmem:s23], [sflag:$0x1] =	stream.linear.gather [spmem:s24], $0x80, $0x38;
	[tilespmem:$0xCB00] =	vst v63  }
0x213: {  	_ =	swait.ge [sflag:s15], $0x6000  }
0x214: {  	p2 =	sne.s32 s22, $0x0;
	[sflag:s15] =	ssyncset.done $0x0  }
0x215: {  	s22 =	simm.s32 @!p2 $0x0;
	s23 =	simm.s32 @!p2 $0x100;
	[sflag:s15] =	ssyncadd.s32 $0xFFFFA000  }
0x216: {  	[hbm4b:s20+s22] =	stream.linear.scatter @!p2 [tilespmem:s23], [sflag:$0x2], $0x6000, $0x38;
	[tilespmem:$0xCB00] =	vst v63  }
0x217: {  	s21 =	sadd.s32 $0x1, s21;
	s22 =	simm.s32 @p1 $0x0;
	s23 =	simm.s32 @p1 $0x6100  }
0x218: {  	[hbm4b:s20+s22] =	stream.linear.scatter @p1 [tilespmem:s23], [sflag:$0x3], $0x6000, $0x38;
	[tilespmem:$0xCB00] =	vst v63  }
0x219: {  	p1 =	sne.s32 s21, $0x10  }
.Ltmp0:
0x21a: {  	_ = 	snop;
	(pc) =	sbr.rel @p1 .LBB2_2-.Ltmp0, $2  }
0x21b: {  	_ =	sdelay $0x2  }
0x21c: {  	s19 =	sadd.s32 $0x10, s19;
	s20 =	sadd.s32 $0xC00, s20  }
0x21d: {  	s18 =	sadd.s32 $0x1, s18  }
0x21e: {  	_ =	swait.ge [sflag:s16], $0x6000;
	p1 =	sne.s32 s18, s9  }
.Ltmp1:
0x21f: {  	[sflag:s16] =	ssyncset.done $0x0;
	(pc) =	sbr.rel @p1 .LBB2_1-.Ltmp1, $4  }
0x220: {  	[sflag:s16] =	ssyncadd.s32 $0xFFFFA000  }
0x221: {  	_ =	swait.ge [sflag:s17], $0x6000  }
0x222: {  	[sflag:s17] =	ssyncset.done $0x0  }
0x223: {  	[sflag:s17] =	ssyncadd.s32 $0xFFFFA000  }
0x224: {  	_ =	sfence.sel $0x180000  }
0x225: {  	[bflag:$0x0] =	sbarrier.arrive $0xFFFF  }
0x226: {  	_ =	strace $0x90000047  }
0x227: {  	s0 =	sadd.s32 @!p0 $0x100000, s4;
	[bflag:$0x2] =	sbarrier.arrive $0xFFFF  }
0x228: {  	[sflag:s0] =	ssyncadd.tile.s32 @!p0 $0x1;
	_ =	shalt  }
.Lfunc_end2:
_tile_overlayer_lowered:
.L_overlay_start_2:
0x229: {  	(tag) =	ssettag $0x2  }
0x22a: {  	s0 =	rddreg [dreg:$0x0];
	s2 =	stileid.u32  }
0x22b: {  	s1 =	rddreg [dreg:$0x1];
	p0 =	sne.s32 s2, $0x0  }
0x22c: {  	s3 =	rddreg [dreg:$0x2];
	[bflag:$0x3] =	sbarrier.arrive $0xFFFF;
	s2 =	simm.s32 @!p0 $0x1C04  }
0x22d: {  	[timem:s3], [sflag:s2] =	dma.local @!p0 [hbm:s0], s1  }
0x22e: {  	s0 =	simm.s32 @!p0 $0x4  }
0x22f: {  	_ =	swait.ge @!p0 [sflag:s0], s1  }
0x230: {  	s1 =	ssub.s32 @!p0 $0x0, s1;
	[sflag:s0] =	ssyncset.done @!p0 $0x0  }
0x231: {  	[sflag:s0] =	ssyncadd.s32 @!p0 s1  }
0x232: {  	[bflag:$0x3] =	sbarrier.arrive $0xFFFF  }
0x233: {  	_ =	shalt  }

</sc_bundles>
